<compile_context>
chip_gen: v7x
topology: tpu7x:2x2x1
jax: 0.10.2.dev20260603
libtpu: 0.0.44.dev20260713+nightly
codegen_flags: <defaults>
</compile_context>

<pallas_src>
import functools

import jax
import jax.numpy as jnp
from jax import lax
from jax.experimental import pallas as pl
from jax.experimental.pallas import tpu as pltpu
from jax.experimental.pallas import tpu_sc as plsc

SEQ = 8192
D = 768
EPS = 1e-12

CH_SIZES = (4096, 4096)
CH_STARTS = (0, 4096)
P = len(CH_SIZES)

NC = 2
NS = 16
NW = NC * NS
CHUNK = 64


def _sc_body(ids_hbm, table_hbm, out_hbm, idx_v, rows_v,
             wsem0, wsem1, osem0, osem1, *, nch, rpw):
    wid = lax.axis_index("s") * NC + lax.axis_index("c")
    base = wid * rpw
    pltpu.sync_copy(ids_hbm.at[wid], idx_v)
    wsems = (wsem0, wsem1)
    osems = (osem0, osem1)
    gathers = [
        pltpu.async_copy(table_hbm.at[idx_v.at[0]], rows_v.at[0], wsem0)
    ]
    outs = []
    for c in range(nch):
        b = c % 2
        if c + 1 < nch:
            if c >= 1:
                outs[c - 1].wait()
            gathers.append(
                pltpu.async_copy(table_hbm.at[idx_v.at[c + 1]],
                                 rows_v.at[(c + 1) % 2], wsems[(c + 1) % 2]))
        gathers[c].wait()
        outs.append(
            pltpu.async_copy(
                rows_v.at[b], out_hbm.at[pl.ds(base + c * CHUNK, CHUNK)],
                osems[b]))
    outs[-1].wait()
    if nch > 1:
        outs[-2].wait()


@functools.lru_cache(maxsize=None)
def _make_sc_gather(size):
    rpw = size // NW
    nch = rpw // CHUNK
    mesh = plsc.VectorSubcoreMesh(core_axis_name="c", subcore_axis_name="s")
    return functools.partial(
        pl.kernel,
        out_type=jax.ShapeDtypeStruct((size, D), jnp.float32),
        mesh=mesh,
        scratch_types=[
            pltpu.VMEM((nch, CHUNK), jnp.int32),
            pltpu.VMEM((2, CHUNK, D), jnp.float32),
            pltpu.SemaphoreType.DMA,
            pltpu.SemaphoreType.DMA,
            pltpu.SemaphoreType.DMA,
            pltpu.SemaphoreType.DMA,
        ],
    )(functools.partial(_sc_body, nch=nch, rpw=rpw))


BT = 2048


def _tc_body_first(word_ref, pos_ref, tt_ref, tok_ref, gam_ref, bet_ref,
                   w_ref, b_ref, out_ref):
    x = word_ref[...] + pos_ref[...]
    t = tt_ref[...].astype(jnp.float32)
    tok0 = tok_ref[0:1, :]
    tok1 = tok_ref[1:2, :]
    x = x + tok0 + t * (tok1 - tok0)
    s1 = jnp.sum(x, axis=-1, keepdims=True)
    s2 = jnp.sum(x * x, axis=-1, keepdims=True)
    mean = s1 * (1.0 / D)
    var = s2 * (1.0 / D) - mean * mean
    y = (x - mean) * lax.rsqrt(var + EPS) * gam_ref[...] + bet_ref[...]
    acc = lax.dot_general(
        y.astype(jnp.bfloat16), w_ref[...],
        dimension_numbers=(((1,), (1,)), ((), ())),
        preferred_element_type=jnp.float32,
    )
    out_ref[...] = acc + b_ref[...]


def _tc_body_chained(word_ref, pos_ref, tt_ref, tok_ref, gam_ref, bet_ref,
                     w_ref, b_ref, _buf_ref, out_ref):
    _tc_body_first(word_ref, pos_ref, tt_ref, tok_ref, gam_ref, bet_ref,
                   w_ref, b_ref, out_ref)


def _common_in_specs(b0):
    return [
        pl.BlockSpec((BT, D), lambda i: (i, 0)),
        pl.BlockSpec((BT, D), lambda i, b0=b0: (b0 + i, 0)),
        pl.BlockSpec((BT, 1), lambda i, b0=b0: (b0 + i, 0)),
        pl.BlockSpec((2, D), lambda i: (0, 0)),
        pl.BlockSpec((1, D), lambda i: (0, 0)),
        pl.BlockSpec((1, D), lambda i: (0, 0)),
        pl.BlockSpec((D, D), lambda i: (0, 0)),
        pl.BlockSpec((1, D), lambda i: (0, 0)),
    ]


@functools.lru_cache(maxsize=None)
def _make_tc_call(start, size, first):
    b0 = start // BT
    nbt = size // BT
    out_spec = pl.BlockSpec((BT, D), lambda i, b0=b0: (b0 + i, 0))
    out_shape = jax.ShapeDtypeStruct((SEQ, D), jnp.float32)
    if first:
        return pl.pallas_call(
            _tc_body_first,
            grid=(nbt,),
            in_specs=_common_in_specs(b0),
            out_specs=out_spec,
            out_shape=out_shape,
        )
    return pl.pallas_call(
        _tc_body_chained,
        grid=(nbt,),
        in_specs=_common_in_specs(b0)
        + [pl.BlockSpec(memory_space=pl.ANY)],
        out_specs=out_spec,
        out_shape=out_shape,
        input_output_aliases={8: 0},
    )


def kernel(input_ids, token_type_ids, word_table, pos_table, tok_table,
           ln_gamma, ln_beta, W_lin, b_lin):
    tt2 = token_type_ids.reshape(SEQ, 1)
    gam = ln_gamma.reshape(1, D)
    bet = ln_beta.reshape(1, D)
    wb = W_lin.astype(jnp.bfloat16)
    b2 = b_lin.reshape(1, D)

    chunks = []
    for start, size in zip(CH_STARTS, CH_SIZES):
        ids = input_ids[start:start + size].reshape(NW, size // NW // CHUNK,
                                                    CHUNK)
        chunks.append(_make_sc_gather(size)(ids, word_table))
    buf = None
    for p, (start, size) in enumerate(zip(CH_STARTS, CH_SIZES)):
        args = (chunks[p], pos_table[:SEQ], tt2, tok_table, gam, bet, wb, b2)
        if p == 0:
            buf = _make_tc_call(start, size, True)(*args)
        else:
            buf = _make_tc_call(start, size, False)(*args, buf)
    return buf.reshape(1, SEQ, D)

# --- scband reference (transcript-rebuilt; emitter-appended) ---
"""Pipeline reference for scband-embedder-44109314130102 (READ-ONLY COPY).

The authoritative reference and input builder live on the scoring server;
editing this copy changes nothing except your own understanding.
"""

import jax, jax.numpy as jnp
import numpy as np

VOCAB = 100000
D = 768
MAXPOS = 8192
NTYPES = 2
SEQ = 8192
EPS = 1e-12


def setup_inputs(seed: int = 0) -> dict:
    key = jax.random.key(seed)
    ks = jax.random.split(key, 9)
    input_ids = jax.random.randint(ks[0], (SEQ,), 0, VOCAB, dtype=jnp.int32)
    token_type_ids = jax.random.randint(ks[1], (SEQ,), 0, NTYPES, dtype=jnp.int32)
    word_table = jax.random.normal(ks[2], (VOCAB, D), dtype=jnp.float32) * 0.02
    pos_table = jax.random.normal(ks[3], (MAXPOS, D), dtype=jnp.float32) * 0.02
    tok_table = jax.random.normal(ks[4], (NTYPES, D), dtype=jnp.float32) * 0.02
    ln_gamma = jnp.ones((D,), dtype=jnp.float32)
    ln_beta = jnp.zeros((D,), dtype=jnp.float32)
    W_lin = jax.random.normal(ks[5], (D, D), dtype=jnp.float32) * (1.0 / np.sqrt(D))
    b_lin = jnp.zeros((D,), dtype=jnp.float32)
    return {
        "input_ids": input_ids,
        "token_type_ids": token_type_ids,
        "word_table": word_table,
        "pos_table": pos_table,
        "tok_table": tok_table,
        "ln_gamma": ln_gamma,
        "ln_beta": ln_beta,
        "W_lin": W_lin,
        "b_lin": b_lin,
    }


def _layer_norm(x, gamma, beta):
    mean = jnp.mean(x, axis=-1, keepdims=True)
    var = jnp.mean(jnp.square(x - mean), axis=-1, keepdims=True)
    xhat = (x - mean) / jnp.sqrt(var + EPS)
    return xhat * gamma + beta


def reference(input_ids, token_type_ids, word_table, pos_table, tok_table, ln_gamma, ln_beta, W_lin, b_lin):
    seq_length = input_ids.shape[0]
    position_ids = jnp.arange(MAXPOS, dtype=jnp.int32)[None, :][:, :seq_length]  # [1, S]
    word_embeddings = jnp.take(word_table, input_ids, axis=0)           # [S, D]
    position_embeddings = jnp.take(pos_table, position_ids, axis=0)     # [1, S, D]
    token_type_embeddings = jnp.take(tok_table, token_type_ids, axis=0)  # [S, D]
    embeddings = word_embeddings + position_embeddings + token_type_embeddings  # [1, S, D]
    embeddings = _layer_norm(embeddings, ln_gamma, ln_beta)
    embeddings = embeddings @ W_lin.T + b_lin
    # dropout is identity in eval mode
    return embeddings

if __name__ == "__main__":
    import jax
    _d = setup_inputs()
    print(jax.jit(kernel)(*tuple(_d.values())))

</pallas_src>

<mosaic_0001>
#map = affine_map<(d0, d1) -> (0, 0, 0)>
#map1 = affine_map<(d0, d1) -> (0, 0)>
module attributes {stable_mosaic.version = 14 : i64} {
  func.func @_sc_body(%arg0: i32, %arg1: i32, %arg2: memref<32x2x64xi32, #tpu.memory_space<hbm>>, %arg3: memref<100000x768xf32, #tpu.memory_space<hbm>>, %arg4: memref<4096x768xf32, #tpu.memory_space<hbm>>, %arg5: memref<2x64xi32, #tpu.memory_space<vmem>>, %arg6: memref<2x64x768xf32, #tpu.memory_space<vmem>>, %arg7: memref<!tpu.dma_semaphore, #tpu.memory_space<semaphore_mem>>, %arg8: memref<!tpu.dma_semaphore, #tpu.memory_space<semaphore_mem>>, %arg9: memref<!tpu.dma_semaphore, #tpu.memory_space<semaphore_mem>>, %arg10: memref<!tpu.dma_semaphore, #tpu.memory_space<semaphore_mem>>) attributes {dimension_semantics = [#tpu.dimension_semantics<core_parallel>, #tpu.dimension_semantics<subcore_parallel>], iteration_bounds = array<i64: 2, 16>, scalar_prefetch = 0 : i64, scratch_operands = 6 : i64, tpu.core_type = #tpu.core_type<sc_vector_subcore>, window_params = [{transform_indices = #map}, {transform_indices = #map1}, {transform_indices = #map1}]} {
    %mul3A = arith.constant 2 : i32
    %mul3A_0 = arith.muli %arg1, %mul3A : i32
    %add3A = arith.addi %mul3A_0, %arg0 : i32
    %mul3A_1 = arith.constant 128 : i32
    %mul3A_2 = arith.muli %add3A, %mul3A_1 : i32
    "tpu.region"() ({
      %run_scoped3A = tpu.sem_alloc : memref<!tpu.dma_semaphore, #tpu.memory_space<semaphore_mem>>
      %dma_start3A_105 = arith.constant 0 : i32
      %dma_start3A_106 = arith.constant 0 : i32
      %dma_start3A_107 = tpu.memref_slice %arg2[%add3A, %dma_start3A_105, %dma_start3A_106] : memref<32x2x64xi32, #tpu.memory_space<hbm>> -> memref<1x2x64xi32, #tpu.memory_space<hbm>>
      %dma_start3A_108 = tpu.memref_squeeze %dma_start3A_107 : memref<1x2x64xi32, #tpu.memory_space<hbm>> -> memref<2x64xi32, #tpu.memory_space<hbm>>
      %dma_start3A_109 = arith.constant 0 : i32
      %dma_start3A_110 = arith.constant 0 : i32
      %dma_start3A_111 = tpu.memref_slice %arg2[%add3A, %dma_start3A_109, %dma_start3A_110] : memref<32x2x64xi32, #tpu.memory_space<hbm>> -> memref<1x2x64xi32, #tpu.memory_space<hbm>>
      %dma_start3A_112 = tpu.memref_squeeze %dma_start3A_111 : memref<1x2x64xi32, #tpu.memory_space<hbm>> -> memref<2x64xi32, #tpu.memory_space<hbm>>
      tpu.enqueue_dma source(%dma_start3A_112 : memref<2x64xi32, #tpu.memory_space<hbm>>) target(%arg5 : memref<2x64xi32, #tpu.memory_space<vmem>>) target_semaphore(%run_scoped3A : memref<!tpu.dma_semaphore, #tpu.memory_space<semaphore_mem>>)
      %dma_wait3A_113 = arith.constant 0 : i32
      %dma_wait3A_114 = arith.constant 0 : i32
      %dma_wait3A_115 = tpu.memref_slice %arg2[%add3A, %dma_wait3A_113, %dma_wait3A_114] : memref<32x2x64xi32, #tpu.memory_space<hbm>> -> memref<1x2x64xi32, #tpu.memory_space<hbm>>
      %dma_wait3A_116 = tpu.memref_squeeze %dma_wait3A_115 : memref<1x2x64xi32, #tpu.memory_space<hbm>> -> memref<2x64xi32, #tpu.memory_space<hbm>>
      %dma_wait3A_117 = arith.constant 0 : i32
      %dma_wait3A_118 = arith.constant 0 : i32
      %dma_wait3A_119 = tpu.memref_slice %arg2[%add3A, %dma_wait3A_117, %dma_wait3A_118] : memref<32x2x64xi32, #tpu.memory_space<hbm>> -> memref<1x2x64xi32, #tpu.memory_space<hbm>>
      %dma_wait3A_120 = tpu.memref_squeeze %dma_wait3A_119 : memref<1x2x64xi32, #tpu.memory_space<hbm>> -> memref<2x64xi32, #tpu.memory_space<hbm>>
      tpu.wait_dma2 semaphore(%run_scoped3A : memref<!tpu.dma_semaphore, #tpu.memory_space<semaphore_mem>>) src(%dma_wait3A_120 : memref<2x64xi32, #tpu.memory_space<hbm>>) dst(%arg5 : memref<2x64xi32, #tpu.memory_space<vmem>>)
      tpu.yield
    }) : () -> ()
    %dma_start3A = arith.constant 0 : i32
    %dma_start3A_3 = arith.constant 0 : i32
    %dma_start3A_4 = arith.constant 0 : i32
    %dma_start3A_5 = arith.constant 0 : i32
    %dma_start3A_6 = tpu.memref_slice %arg6[%dma_start3A_3, %dma_start3A_4, %dma_start3A_5] : memref<2x64x768xf32, #tpu.memory_space<vmem>> -> memref<1x64x768xf32, #tpu.memory_space<vmem>>
    %dma_start3A_7 = tpu.memref_squeeze %dma_start3A_6 : memref<1x64x768xf32, #tpu.memory_space<vmem>> -> memref<64x768xf32, #tpu.memory_space<vmem>>
    %dma_start3A_8 = arith.constant 0 : i32
    %dma_start3A_9 = tpu.memref_slice %arg5[%dma_start3A, %dma_start3A_8] : memref<2x64xi32, #tpu.memory_space<vmem>> -> memref<1x64xi32, #tpu.memory_space<vmem>>
    %dma_start3A_10 = tpu.memref_squeeze %dma_start3A_9 : memref<1x64xi32, #tpu.memory_space<vmem>> -> memref<64xi32, #tpu.memory_space<vmem>>
    %dma_start3A_11 = arith.constant 0 : i32
    %dma_start3A_12 = arith.constant 0 : i32
    %dma_start3A_13 = tpu.memref_slice %arg3[%dma_start3A_11, %dma_start3A_12] : memref<100000x768xf32, #tpu.memory_space<hbm>> -> memref<100000x768xf32, #tpu.memory_space<hbm>>
    tpu.enqueue_indirect_dma source(%dma_start3A_13 : memref<100000x768xf32, #tpu.memory_space<hbm>>) target(%dma_start3A_7 : memref<64x768xf32, #tpu.memory_space<vmem>>) offsets(%dma_start3A_10 : memref<64xi32, #tpu.memory_space<vmem>>) semaphore(%arg7 : memref<!tpu.dma_semaphore, #tpu.memory_space<semaphore_mem>>)
    %dma_start3A_14 = arith.constant 1 : i32
    %dma_start3A_15 = arith.constant 1 : i32
    %dma_start3A_16 = arith.constant 0 : i32
    %dma_start3A_17 = arith.constant 0 : i32
    %dma_start3A_18 = tpu.memref_slice %arg6[%dma_start3A_15, %dma_start3A_16, %dma_start3A_17] : memref<2x64x768xf32, #tpu.memory_space<vmem>> -> memref<1x64x768xf32, #tpu.memory_space<vmem>>
    %dma_start3A_19 = tpu.memref_squeeze %dma_start3A_18 : memref<1x64x768xf32, #tpu.memory_space<vmem>> -> memref<64x768xf32, #tpu.memory_space<vmem>>
    %dma_start3A_20 = arith.constant 0 : i32
    %dma_start3A_21 = tpu.memref_slice %arg5[%dma_start3A_14, %dma_start3A_20] : memref<2x64xi32, #tpu.memory_space<vmem>> -> memref<1x64xi32, #tpu.memory_space<vmem>>
    %dma_start3A_22 = tpu.memref_squeeze %dma_start3A_21 : memref<1x64xi32, #tpu.memory_space<vmem>> -> memref<64xi32, #tpu.memory_space<vmem>>
    %dma_start3A_23 = arith.constant 0 : i32
    %dma_start3A_24 = arith.constant 0 : i32
    %dma_start3A_25 = tpu.memref_slice %arg3[%dma_start3A_23, %dma_start3A_24] : memref<100000x768xf32, #tpu.memory_space<hbm>> -> memref<100000x768xf32, #tpu.memory_space<hbm>>
    tpu.enqueue_indirect_dma source(%dma_start3A_25 : memref<100000x768xf32, #tpu.memory_space<hbm>>) target(%dma_start3A_19 : memref<64x768xf32, #tpu.memory_space<vmem>>) offsets(%dma_start3A_22 : memref<64xi32, #tpu.memory_space<vmem>>) semaphore(%arg8 : memref<!tpu.dma_semaphore, #tpu.memory_space<semaphore_mem>>)
    %dma_wait3A = arith.constant 0 : i32
    %dma_wait3A_26 = arith.constant 0 : i32
    %dma_wait3A_27 = arith.constant 0 : i32
    %dma_wait3A_28 = arith.constant 0 : i32
    %dma_wait3A_29 = tpu.memref_slice %arg6[%dma_wait3A_26, %dma_wait3A_27, %dma_wait3A_28] : memref<2x64x768xf32, #tpu.memory_space<vmem>> -> memref<1x64x768xf32, #tpu.memory_space<vmem>>
    %dma_wait3A_30 = tpu.memref_squeeze %dma_wait3A_29 : memref<1x64x768xf32, #tpu.memory_space<vmem>> -> memref<64x768xf32, #tpu.memory_space<vmem>>
    %dma_wait3A_31 = arith.constant 0 : i32
    %dma_wait3A_32 = tpu.memref_slice %arg5[%dma_wait3A, %dma_wait3A_31] : memref<2x64xi32, #tpu.memory_space<vmem>> -> memref<1x64xi32, #tpu.memory_space<vmem>>
    %dma_wait3A_33 = tpu.memref_squeeze %dma_wait3A_32 : memref<1x64xi32, #tpu.memory_space<vmem>> -> memref<64xi32, #tpu.memory_space<vmem>>
    %dma_wait3A_34 = arith.constant 0 : i32
    %dma_wait3A_35 = arith.constant 0 : i32
    %dma_wait3A_36 = tpu.memref_slice %arg3[%dma_wait3A_34, %dma_wait3A_35] : memref<100000x768xf32, #tpu.memory_space<hbm>> -> memref<100000x768xf32, #tpu.memory_space<hbm>>
    tpu.wait_indirect_dma semaphore(%arg7 : memref<!tpu.dma_semaphore, #tpu.memory_space<semaphore_mem>>) src(%dma_wait3A_36 : memref<100000x768xf32, #tpu.memory_space<hbm>>) dst(%dma_wait3A_30 : memref<64x768xf32, #tpu.memory_space<vmem>>)
    %add3A_37 = arith.constant 0 : i32
    %add3A_38 = arith.addi %mul3A_2, %add3A_37 : i32
    %dma_start3A_39 = arith.constant 0 : i32
    %dma_start3A_40 = arith.constant 0 : i32
    %dma_start3A_41 = arith.constant 0 : i32
    %dma_start3A_42 = tpu.memref_slice %arg6[%dma_start3A_39, %dma_start3A_40, %dma_start3A_41] : memref<2x64x768xf32, #tpu.memory_space<vmem>> -> memref<1x64x768xf32, #tpu.memory_space<vmem>>
    %dma_start3A_43 = tpu.memref_squeeze %dma_start3A_42 : memref<1x64x768xf32, #tpu.memory_space<vmem>> -> memref<64x768xf32, #tpu.memory_space<vmem>>
    %dma_start3A_44 = arith.constant 0 : i32
    %dma_start3A_45 = tpu.memref_slice %arg4[%add3A_38, %dma_start3A_44] : memref<4096x768xf32, #tpu.memory_space<hbm>> -> memref<64x768xf32, #tpu.memory_space<hbm>>
    %dma_start3A_46 = arith.constant 0 : i32
    %dma_start3A_47 = tpu.memref_slice %arg4[%add3A_38, %dma_start3A_46] : memref<4096x768xf32, #tpu.memory_space<hbm>> -> memref<64x768xf32, #tpu.memory_space<hbm>>
    %dma_start3A_48 = arith.constant 0 : i32
    %dma_start3A_49 = arith.constant 0 : i32
    %dma_start3A_50 = tpu.memref_slice %arg6[%dma_start3A_39, %dma_start3A_48, %dma_start3A_49] : memref<2x64x768xf32, #tpu.memory_space<vmem>> -> memref<1x64x768xf32, #tpu.memory_space<vmem>>
    %dma_start3A_51 = tpu.memref_squeeze %dma_start3A_50 : memref<1x64x768xf32, #tpu.memory_space<vmem>> -> memref<64x768xf32, #tpu.memory_space<vmem>>
    tpu.enqueue_dma source(%dma_start3A_51 : memref<64x768xf32, #tpu.memory_space<vmem>>) target(%dma_start3A_47 : memref<64x768xf32, #tpu.memory_space<hbm>>) target_semaphore(%arg9 : memref<!tpu.dma_semaphore, #tpu.memory_space<semaphore_mem>>)
    %dma_wait3A_52 = arith.constant 1 : i32
    %dma_wait3A_53 = arith.constant 1 : i32
    %dma_wait3A_54 = arith.constant 0 : i32
    %dma_wait3A_55 = arith.constant 0 : i32
    %dma_wait3A_56 = tpu.memref_slice %arg6[%dma_wait3A_53, %dma_wait3A_54, %dma_wait3A_55] : memref<2x64x768xf32, #tpu.memory_space<vmem>> -> memref<1x64x768xf32, #tpu.memory_space<vmem>>
    %dma_wait3A_57 = tpu.memref_squeeze %dma_wait3A_56 : memref<1x64x768xf32, #tpu.memory_space<vmem>> -> memref<64x768xf32, #tpu.memory_space<vmem>>
    %dma_wait3A_58 = arith.constant 0 : i32
    %dma_wait3A_59 = tpu.memref_slice %arg5[%dma_wait3A_52, %dma_wait3A_58] : memref<2x64xi32, #tpu.memory_space<vmem>> -> memref<1x64xi32, #tpu.memory_space<vmem>>
    %dma_wait3A_60 = tpu.memref_squeeze %dma_wait3A_59 : memref<1x64xi32, #tpu.memory_space<vmem>> -> memref<64xi32, #tpu.memory_space<vmem>>
    %dma_wait3A_61 = arith.constant 0 : i32
    %dma_wait3A_62 = arith.constant 0 : i32
    %dma_wait3A_63 = tpu.memref_slice %arg3[%dma_wait3A_61, %dma_wait3A_62] : memref<100000x768xf32, #tpu.memory_space<hbm>> -> memref<100000x768xf32, #tpu.memory_space<hbm>>
    tpu.wait_indirect_dma semaphore(%arg8 : memref<!tpu.dma_semaphore, #tpu.memory_space<semaphore_mem>>) src(%dma_wait3A_63 : memref<100000x768xf32, #tpu.memory_space<hbm>>) dst(%dma_wait3A_57 : memref<64x768xf32, #tpu.memory_space<vmem>>)
    %add3A_64 = arith.constant 64 : i32
    %add3A_65 = arith.addi %mul3A_2, %add3A_64 : i32
    %dma_start3A_66 = arith.constant 1 : i32
    %dma_start3A_67 = arith.constant 0 : i32
    %dma_start3A_68 = arith.constant 0 : i32
    %dma_start3A_69 = tpu.memref_slice %arg6[%dma_start3A_66, %dma_start3A_67, %dma_start3A_68] : memref<2x64x768xf32, #tpu.memory_space<vmem>> -> memref<1x64x768xf32, #tpu.memory_space<vmem>>
    %dma_start3A_70 = tpu.memref_squeeze %dma_start3A_69 : memref<1x64x768xf32, #tpu.memory_space<vmem>> -> memref<64x768xf32, #tpu.memory_space<vmem>>
    %dma_start3A_71 = arith.constant 0 : i32
    %dma_start3A_72 = tpu.memref_slice %arg4[%add3A_65, %dma_start3A_71] : memref<4096x768xf32, #tpu.memory_space<hbm>> -> memref<64x768xf32, #tpu.memory_space<hbm>>
    %dma_start3A_73 = arith.constant 0 : i32
    %dma_start3A_74 = tpu.memref_slice %arg4[%add3A_65, %dma_start3A_73] : memref<4096x768xf32, #tpu.memory_space<hbm>> -> memref<64x768xf32, #tpu.memory_space<hbm>>
    %dma_start3A_75 = arith.constant 0 : i32
    %dma_start3A_76 = arith.constant 0 : i32
    %dma_start3A_77 = tpu.memref_slice %arg6[%dma_start3A_66, %dma_start3A_75, %dma_start3A_76] : memref<2x64x768xf32, #tpu.memory_space<vmem>> -> memref<1x64x768xf32, #tpu.memory_space<vmem>>
    %dma_start3A_78 = tpu.memref_squeeze %dma_start3A_77 : memref<1x64x768xf32, #tpu.memory_space<vmem>> -> memref<64x768xf32, #tpu.memory_space<vmem>>
    tpu.enqueue_dma source(%dma_start3A_78 : memref<64x768xf32, #tpu.memory_space<vmem>>) target(%dma_start3A_74 : memref<64x768xf32, #tpu.memory_space<hbm>>) target_semaphore(%arg10 : memref<!tpu.dma_semaphore, #tpu.memory_space<semaphore_mem>>)
    %dma_wait3A_79 = arith.constant 1 : i32
    %dma_wait3A_80 = arith.constant 0 : i32
    %dma_wait3A_81 = arith.constant 0 : i32
    %dma_wait3A_82 = tpu.memref_slice %arg6[%dma_wait3A_79, %dma_wait3A_80, %dma_wait3A_81] : memref<2x64x768xf32, #tpu.memory_space<vmem>> -> memref<1x64x768xf32, #tpu.memory_space<vmem>>
    %dma_wait3A_83 = tpu.memref_squeeze %dma_wait3A_82 : memref<1x64x768xf32, #tpu.memory_space<vmem>> -> memref<64x768xf32, #tpu.memory_space<vmem>>
    %dma_wait3A_84 = arith.constant 0 : i32
    %dma_wait3A_85 = tpu.memref_slice %arg4[%add3A_65, %dma_wait3A_84] : memref<4096x768xf32, #tpu.memory_space<hbm>> -> memref<64x768xf32, #tpu.memory_space<hbm>>
    %dma_wait3A_86 = arith.constant 0 : i32
    %dma_wait3A_87 = tpu.memref_slice %arg4[%add3A_65, %dma_wait3A_86] : memref<4096x768xf32, #tpu.memory_space<hbm>> -> memref<64x768xf32, #tpu.memory_space<hbm>>
    %dma_wait3A_88 = arith.constant 0 : i32
    %dma_wait3A_89 = arith.constant 0 : i32
    %dma_wait3A_90 = tpu.memref_slice %arg6[%dma_wait3A_79, %dma_wait3A_88, %dma_wait3A_89] : memref<2x64x768xf32, #tpu.memory_space<vmem>> -> memref<1x64x768xf32, #tpu.memory_space<vmem>>
    %dma_wait3A_91 = tpu.memref_squeeze %dma_wait3A_90 : memref<1x64x768xf32, #tpu.memory_space<vmem>> -> memref<64x768xf32, #tpu.memory_space<vmem>>
    tpu.wait_dma2 semaphore(%arg10 : memref<!tpu.dma_semaphore, #tpu.memory_space<semaphore_mem>>) src(%dma_wait3A_91 : memref<64x768xf32, #tpu.memory_space<vmem>>) dst(%dma_wait3A_87 : memref<64x768xf32, #tpu.memory_space<hbm>>)
    %dma_wait3A_92 = arith.constant 0 : i32
    %dma_wait3A_93 = arith.constant 0 : i32
    %dma_wait3A_94 = arith.constant 0 : i32
    %dma_wait3A_95 = tpu.memref_slice %arg6[%dma_wait3A_92, %dma_wait3A_93, %dma_wait3A_94] : memref<2x64x768xf32, #tpu.memory_space<vmem>> -> memref<1x64x768xf32, #tpu.memory_space<vmem>>
    %dma_wait3A_96 = tpu.memref_squeeze %dma_wait3A_95 : memref<1x64x768xf32, #tpu.memory_space<vmem>> -> memref<64x768xf32, #tpu.memory_space<vmem>>
    %dma_wait3A_97 = arith.constant 0 : i32
    %dma_wait3A_98 = tpu.memref_slice %arg4[%add3A_38, %dma_wait3A_97] : memref<4096x768xf32, #tpu.memory_space<hbm>> -> memref<64x768xf32, #tpu.memory_space<hbm>>
    %dma_wait3A_99 = arith.constant 0 : i32
    %dma_wait3A_100 = tpu.memref_slice %arg4[%add3A_38, %dma_wait3A_99] : memref<4096x768xf32, #tpu.memory_space<hbm>> -> memref<64x768xf32, #tpu.memory_space<hbm>>
    %dma_wait3A_101 = arith.constant 0 : i32
    %dma_wait3A_102 = arith.constant 0 : i32
    %dma_wait3A_103 = tpu.memref_slice %arg6[%dma_wait3A_92, %dma_wait3A_101, %dma_wait3A_102] : memref<2x64x768xf32, #tpu.memory_space<vmem>> -> memref<1x64x768xf32, #tpu.memory_space<vmem>>
    %dma_wait3A_104 = tpu.memref_squeeze %dma_wait3A_103 : memref<1x64x768xf32, #tpu.memory_space<vmem>> -> memref<64x768xf32, #tpu.memory_space<vmem>>
    tpu.wait_dma2 semaphore(%arg9 : memref<!tpu.dma_semaphore, #tpu.memory_space<semaphore_mem>>) src(%dma_wait3A_104 : memref<64x768xf32, #tpu.memory_space<vmem>>) dst(%dma_wait3A_100 : memref<64x768xf32, #tpu.memory_space<hbm>>)
    return
  }
}

#map = affine_map<(d0, d1) -> (0, 0, 0)>
#map1 = affine_map<(d0, d1) -> (0, 0)>
module attributes {stable_mosaic.version = 14 : i64} {
  func.func @_sc_body(%arg0: i32, %arg1: i32, %arg2: memref<32x2x64xi32, #tpu.memory_space<hbm>>, %arg3: memref<100000x768xf32, #tpu.memory_space<hbm>>, %arg4: memref<4096x768xf32, #tpu.memory_space<hbm>>, %arg5: memref<2x64xi32, #tpu.memory_space<vmem>>, %arg6: memref<2x64x768xf32, #tpu.memory_space<vmem>>, %arg7: memref<!tpu.dma_semaphore, #tpu.memory_space<semaphore_mem>>, %arg8: memref<!tpu.dma_semaphore, #tpu.memory_space<semaphore_mem>>, %arg9: memref<!tpu.dma_semaphore, #tpu.memory_space<semaphore_mem>>, %arg10: memref<!tpu.dma_semaphore, #tpu.memory_space<semaphore_mem>>) attributes {dimension_semantics = [#tpu.dimension_semantics<core_parallel>, #tpu.dimension_semantics<subcore_parallel>], iteration_bounds = array<i64: 2, 16>, scalar_prefetch = 0 : i64, scratch_operands = 6 : i64, tpu.core_type = #tpu.core_type<sc_vector_subcore>, window_params = [{transform_indices = #map}, {transform_indices = #map1}, {transform_indices = #map1}]} {
    %mul3A = arith.constant 2 : i32
    %mul3A_0 = arith.muli %arg1, %mul3A : i32
    %add3A = arith.addi %mul3A_0, %arg0 : i32
    %mul3A_1 = arith.constant 128 : i32
    %mul3A_2 = arith.muli %add3A, %mul3A_1 : i32
    "tpu.region"() ({
      %run_scoped3A = tpu.sem_alloc : memref<!tpu.dma_semaphore, #tpu.memory_space<semaphore_mem>>
      %dma_start3A_105 = arith.constant 0 : i32
      %dma_start3A_106 = arith.constant 0 : i32
      %dma_start3A_107 = tpu.memref_slice %arg2[%add3A, %dma_start3A_105, %dma_start3A_106] : memref<32x2x64xi32, #tpu.memory_space<hbm>> -> memref<1x2x64xi32, #tpu.memory_space<hbm>>
      %dma_start3A_108 = tpu.memref_squeeze %dma_start3A_107 : memref<1x2x64xi32, #tpu.memory_space<hbm>> -> memref<2x64xi32, #tpu.memory_space<hbm>>
      %dma_start3A_109 = arith.constant 0 : i32
      %dma_start3A_110 = arith.constant 0 : i32
      %dma_start3A_111 = tpu.memref_slice %arg2[%add3A, %dma_start3A_109, %dma_start3A_110] : memref<32x2x64xi32, #tpu.memory_space<hbm>> -> memref<1x2x64xi32, #tpu.memory_space<hbm>>
      %dma_start3A_112 = tpu.memref_squeeze %dma_start3A_111 : memref<1x2x64xi32, #tpu.memory_space<hbm>> -> memref<2x64xi32, #tpu.memory_space<hbm>>
      tpu.enqueue_dma source(%dma_start3A_112 : memref<2x64xi32, #tpu.memory_space<hbm>>) target(%arg5 : memref<2x64xi32, #tpu.memory_space<vmem>>) target_semaphore(%run_scoped3A : memref<!tpu.dma_semaphore, #tpu.memory_space<semaphore_mem>>)
      %dma_wait3A_113 = arith.constant 0 : i32
      %dma_wait3A_114 = arith.constant 0 : i32
      %dma_wait3A_115 = tpu.memref_slice %arg2[%add3A, %dma_wait3A_113, %dma_wait3A_114] : memref<32x2x64xi32, #tpu.memory_space<hbm>> -> memref<1x2x64xi32, #tpu.memory_space<hbm>>
      %dma_wait3A_116 = tpu.memref_squeeze %dma_wait3A_115 : memref<1x2x64xi32, #tpu.memory_space<hbm>> -> memref<2x64xi32, #tpu.memory_space<hbm>>
      %dma_wait3A_117 = arith.constant 0 : i32
      %dma_wait3A_118 = arith.constant 0 : i32
      %dma_wait3A_119 = tpu.memref_slice %arg2[%add3A, %dma_wait3A_117, %dma_wait3A_118] : memref<32x2x64xi32, #tpu.memory_space<hbm>> -> memref<1x2x64xi32, #tpu.memory_space<hbm>>
      %dma_wait3A_120 = tpu.memref_squeeze %dma_wait3A_119 : memref<1x2x64xi32, #tpu.memory_space<hbm>> -> memref<2x64xi32, #tpu.memory_space<hbm>>
      tpu.wait_dma2 semaphore(%run_scoped3A : memref<!tpu.dma_semaphore, #tpu.memory_space<semaphore_mem>>) src(%dma_wait3A_120 : memref<2x64xi32, #tpu.memory_space<hbm>>) dst(%arg5 : memref<2x64xi32, #tpu.memory_space<vmem>>)
      tpu.yield
    }) : () -> ()
    %dma_start3A = arith.constant 0 : i32
    %dma_start3A_3 = arith.constant 0 : i32
    %dma_start3A_4 = arith.constant 0 : i32
    %dma_start3A_5 = arith.constant 0 : i32
    %dma_start3A_6 = tpu.memref_slice %arg6[%dma_start3A_3, %dma_start3A_4, %dma_start3A_5] : memref<2x64x768xf32, #tpu.memory_space<vmem>> -> memref<1x64x768xf32, #tpu.memory_space<vmem>>
    %dma_start3A_7 = tpu.memref_squeeze %dma_start3A_6 : memref<1x64x768xf32, #tpu.memory_space<vmem>> -> memref<64x768xf32, #tpu.memory_space<vmem>>
    %dma_start3A_8 = arith.constant 0 : i32
    %dma_start3A_9 = tpu.memref_slice %arg5[%dma_start3A, %dma_start3A_8] : memref<2x64xi32, #tpu.memory_space<vmem>> -> memref<1x64xi32, #tpu.memory_space<vmem>>
    %dma_start3A_10 = tpu.memref_squeeze %dma_start3A_9 : memref<1x64xi32, #tpu.memory_space<vmem>> -> memref<64xi32, #tpu.memory_space<vmem>>
    %dma_start3A_11 = arith.constant 0 : i32
    %dma_start3A_12 = arith.constant 0 : i32
    %dma_start3A_13 = tpu.memref_slice %arg3[%dma_start3A_11, %dma_start3A_12] : memref<100000x768xf32, #tpu.memory_space<hbm>> -> memref<100000x768xf32, #tpu.memory_space<hbm>>
    tpu.enqueue_indirect_dma source(%dma_start3A_13 : memref<100000x768xf32, #tpu.memory_space<hbm>>) target(%dma_start3A_7 : memref<64x768xf32, #tpu.memory_space<vmem>>) offsets(%dma_start3A_10 : memref<64xi32, #tpu.memory_space<vmem>>) semaphore(%arg7 : memref<!tpu.dma_semaphore, #tpu.memory_space<semaphore_mem>>)
    %dma_start3A_14 = arith.constant 1 : i32
    %dma_start3A_15 = arith.constant 1 : i32
    %dma_start3A_16 = arith.constant 0 : i32
    %dma_start3A_17 = arith.constant 0 : i32
    %dma_start3A_18 = tpu.memref_slice %arg6[%dma_start3A_15, %dma_start3A_16, %dma_start3A_17] : memref<2x64x768xf32, #tpu.memory_space<vmem>> -> memref<1x64x768xf32, #tpu.memory_space<vmem>>
    %dma_start3A_19 = tpu.memref_squeeze %dma_start3A_18 : memref<1x64x768xf32, #tpu.memory_space<vmem>> -> memref<64x768xf32, #tpu.memory_space<vmem>>
    %dma_start3A_20 = arith.constant 0 : i32
    %dma_start3A_21 = tpu.memref_slice %arg5[%dma_start3A_14, %dma_start3A_20] : memref<2x64xi32, #tpu.memory_space<vmem>> -> memref<1x64xi32, #tpu.memory_space<vmem>>
    %dma_start3A_22 = tpu.memref_squeeze %dma_start3A_21 : memref<1x64xi32, #tpu.memory_space<vmem>> -> memref<64xi32, #tpu.memory_space<vmem>>
    %dma_start3A_23 = arith.constant 0 : i32
    %dma_start3A_24 = arith.constant 0 : i32
    %dma_start3A_25 = tpu.memref_slice %arg3[%dma_start3A_23, %dma_start3A_24] : memref<100000x768xf32, #tpu.memory_space<hbm>> -> memref<100000x768xf32, #tpu.memory_space<hbm>>
    tpu.enqueue_indirect_dma source(%dma_start3A_25 : memref<100000x768xf32, #tpu.memory_space<hbm>>) target(%dma_start3A_19 : memref<64x768xf32, #tpu.memory_space<vmem>>) offsets(%dma_start3A_22 : memref<64xi32, #tpu.memory_space<vmem>>) semaphore(%arg8 : memref<!tpu.dma_semaphore, #tpu.memory_space<semaphore_mem>>)
    %dma_wait3A = arith.constant 0 : i32
    %dma_wait3A_26 = arith.constant 0 : i32
    %dma_wait3A_27 = arith.constant 0 : i32
    %dma_wait3A_28 = arith.constant 0 : i32
    %dma_wait3A_29 = tpu.memref_slice %arg6[%dma_wait3A_26, %dma_wait3A_27, %dma_wait3A_28] : memref<2x64x768xf32, #tpu.memory_space<vmem>> -> memref<1x64x768xf32, #tpu.memory_space<vmem>>
    %dma_wait3A_30 = tpu.memref_squeeze %dma_wait3A_29 : memref<1x64x768xf32, #tpu.memory_space<vmem>> -> memref<64x768xf32, #tpu.memory_space<vmem>>
    %dma_wait3A_31 = arith.constant 0 : i32
    %dma_wait3A_32 = tpu.memref_slice %arg5[%dma_wait3A, %dma_wait3A_31] : memref<2x64xi32, #tpu.memory_space<vmem>> -> memref<1x64xi32, #tpu.memory_space<vmem>>
    %dma_wait3A_33 = tpu.memref_squeeze %dma_wait3A_32 : memref<1x64xi32, #tpu.memory_space<vmem>> -> memref<64xi32, #tpu.memory_space<vmem>>
    %dma_wait3A_34 = arith.constant 0 : i32
    %dma_wait3A_35 = arith.constant 0 : i32
    %dma_wait3A_36 = tpu.memref_slice %arg3[%dma_wait3A_34, %dma_wait3A_35] : memref<100000x768xf32, #tpu.memory_space<hbm>> -> memref<100000x768xf32, #tpu.memory_space<hbm>>
    tpu.wait_indirect_dma semaphore(%arg7 : memref<!tpu.dma_semaphore, #tpu.memory_space<semaphore_mem>>) src(%dma_wait3A_36 : memref<100000x768xf32, #tpu.memory_space<hbm>>) dst(%dma_wait3A_30 : memref<64x768xf32, #tpu.memory_space<vmem>>)
    %add3A_37 = arith.constant 0 : i32
    %add3A_38 = arith.addi %mul3A_2, %add3A_37 : i32
    %dma_start3A_39 = arith.constant 0 : i32
    %dma_start3A_40 = arith.constant 0 : i32
    %dma_start3A_41 = arith.constant 0 : i32
    %dma_start3A_42 = tpu.memref_slice %arg6[%dma_start3A_39, %dma_start3A_40, %dma_start3A_41] : memref<2x64x768xf32, #tpu.memory_space<vmem>> -> memref<1x64x768xf32, #tpu.memory_space<vmem>>
    %dma_start3A_43 = tpu.memref_squeeze %dma_start3A_42 : memref<1x64x768xf32, #tpu.memory_space<vmem>> -> memref<64x768xf32, #tpu.memory_space<vmem>>
    %dma_start3A_44 = arith.constant 0 : i32
    %dma_start3A_45 = tpu.memref_slice %arg4[%add3A_38, %dma_start3A_44] : memref<4096x768xf32, #tpu.memory_space<hbm>> -> memref<64x768xf32, #tpu.memory_space<hbm>>
    %dma_start3A_46 = arith.constant 0 : i32
    %dma_start3A_47 = tpu.memref_slice %arg4[%add3A_38, %dma_start3A_46] : memref<4096x768xf32, #tpu.memory_space<hbm>> -> memref<64x768xf32, #tpu.memory_space<hbm>>
    %dma_start3A_48 = arith.constant 0 : i32
    %dma_start3A_49 = arith.constant 0 : i32
    %dma_start3A_50 = tpu.memref_slice %arg6[%dma_start3A_39, %dma_start3A_48, %dma_start3A_49] : memref<2x64x768xf32, #tpu.memory_space<vmem>> -> memref<1x64x768xf32, #tpu.memory_space<vmem>>
    %dma_start3A_51 = tpu.memref_squeeze %dma_start3A_50 : memref<1x64x768xf32, #tpu.memory_space<vmem>> -> memref<64x768xf32, #tpu.memory_space<vmem>>
    tpu.enqueue_dma source(%dma_start3A_51 : memref<64x768xf32, #tpu.memory_space<vmem>>) target(%dma_start3A_47 : memref<64x768xf32, #tpu.memory_space<hbm>>) target_semaphore(%arg9 : memref<!tpu.dma_semaphore, #tpu.memory_space<semaphore_mem>>)
    %dma_wait3A_52 = arith.constant 1 : i32
    %dma_wait3A_53 = arith.constant 1 : i32
    %dma_wait3A_54 = arith.constant 0 : i32
    %dma_wait3A_55 = arith.constant 0 : i32
    %dma_wait3A_56 = tpu.memref_slice %arg6[%dma_wait3A_53, %dma_wait3A_54, %dma_wait3A_55] : memref<2x64x768xf32, #tpu.memory_space<vmem>> -> memref<1x64x768xf32, #tpu.memory_space<vmem>>
    %dma_wait3A_57 = tpu.memref_squeeze %dma_wait3A_56 : memref<1x64x768xf32, #tpu.memory_space<vmem>> -> memref<64x768xf32, #tpu.memory_space<vmem>>
    %dma_wait3A_58 = arith.constant 0 : i32
    %dma_wait3A_59 = tpu.memref_slice %arg5[%dma_wait3A_52, %dma_wait3A_58] : memref<2x64xi32, #tpu.memory_space<vmem>> -> memref<1x64xi32, #tpu.memory_space<vmem>>
    %dma_wait3A_60 = tpu.memref_squeeze %dma_wait3A_59 : memref<1x64xi32, #tpu.memory_space<vmem>> -> memref<64xi32, #tpu.memory_space<vmem>>
    %dma_wait3A_61 = arith.constant 0 : i32
    %dma_wait3A_62 = arith.constant 0 : i32
    %dma_wait3A_63 = tpu.memref_slice %arg3[%dma_wait3A_61, %dma_wait3A_62] : memref<100000x768xf32, #tpu.memory_space<hbm>> -> memref<100000x768xf32, #tpu.memory_space<hbm>>
    tpu.wait_indirect_dma semaphore(%arg8 : memref<!tpu.dma_semaphore, #tpu.memory_space<semaphore_mem>>) src(%dma_wait3A_63 : memref<100000x768xf32, #tpu.memory_space<hbm>>) dst(%dma_wait3A_57 : memref<64x768xf32, #tpu.memory_space<vmem>>)
    %add3A_64 = arith.constant 64 : i32
    %add3A_65 = arith.addi %mul3A_2, %add3A_64 : i32
    %dma_start3A_66 = arith.constant 1 : i32
    %dma_start3A_67 = arith.constant 0 : i32
    %dma_start3A_68 = arith.constant 0 : i32
    %dma_start3A_69 = tpu.memref_slice %arg6[%dma_start3A_66, %dma_start3A_67, %dma_start3A_68] : memref<2x64x768xf32, #tpu.memory_space<vmem>> -> memref<1x64x768xf32, #tpu.memory_space<vmem>>
    %dma_start3A_70 = tpu.memref_squeeze %dma_start3A_69 : memref<1x64x768xf32, #tpu.memory_space<vmem>> -> memref<64x768xf32, #tpu.memory_space<vmem>>
    %dma_start3A_71 = arith.constant 0 : i32
    %dma_start3A_72 = tpu.memref_slice %arg4[%add3A_65, %dma_start3A_71] : memref<4096x768xf32, #tpu.memory_space<hbm>> -> memref<64x768xf32, #tpu.memory_space<hbm>>
    %dma_start3A_73 = arith.constant 0 : i32
    %dma_start3A_74 = tpu.memref_slice %arg4[%add3A_65, %dma_start3A_73] : memref<4096x768xf32, #tpu.memory_space<hbm>> -> memref<64x768xf32, #tpu.memory_space<hbm>>
    %dma_start3A_75 = arith.constant 0 : i32
    %dma_start3A_76 = arith.constant 0 : i32
    %dma_start3A_77 = tpu.memref_slice %arg6[%dma_start3A_66, %dma_start3A_75, %dma_start3A_76] : memref<2x64x768xf32, #tpu.memory_space<vmem>> -> memref<1x64x768xf32, #tpu.memory_space<vmem>>
    %dma_start3A_78 = tpu.memref_squeeze %dma_start3A_77 : memref<1x64x768xf32, #tpu.memory_space<vmem>> -> memref<64x768xf32, #tpu.memory_space<vmem>>
    tpu.enqueue_dma source(%dma_start3A_78 : memref<64x768xf32, #tpu.memory_space<vmem>>) target(%dma_start3A_74 : memref<64x768xf32, #tpu.memory_space<hbm>>) target_semaphore(%arg10 : memref<!tpu.dma_semaphore, #tpu.memory_space<semaphore_mem>>)
    %dma_wait3A_79 = arith.constant 1 : i32
    %dma_wait3A_80 = arith.constant 0 : i32
    %dma_wait3A_81 = arith.constant 0 : i32
    %dma_wait3A_82 = tpu.memref_slice %arg6[%dma_wait3A_79, %dma_wait3A_80, %dma_wait3A_81] : memref<2x64x768xf32, #tpu.memory_space<vmem>> -> memref<1x64x768xf32, #tpu.memory_space<vmem>>
    %dma_wait3A_83 = tpu.memref_squeeze %dma_wait3A_82 : memref<1x64x768xf32, #tpu.memory_space<vmem>> -> memref<64x768xf32, #tpu.memory_space<vmem>>
    %dma_wait3A_84 = arith.constant 0 : i32
    %dma_wait3A_85 = tpu.memref_slice %arg4[%add3A_65, %dma_wait3A_84] : memref<4096x768xf32, #tpu.memory_space<hbm>> -> memref<64x768xf32, #tpu.memory_space<hbm>>
    %dma_wait3A_86 = arith.constant 0 : i32
    %dma_wait3A_87 = tpu.memref_slice %arg4[%add3A_65, %dma_wait3A_86] : memref<4096x768xf32, #tpu.memory_space<hbm>> -> memref<64x768xf32, #tpu.memory_space<hbm>>
    %dma_wait3A_88 = arith.constant 0 : i32
    %dma_wait3A_89 = arith.constant 0 : i32
    %dma_wait3A_90 = tpu.memref_slice %arg6[%dma_wait3A_79, %dma_wait3A_88, %dma_wait3A_89] : memref<2x64x768xf32, #tpu.memory_space<vmem>> -> memref<1x64x768xf32, #tpu.memory_space<vmem>>
    %dma_wait3A_91 = tpu.memref_squeeze %dma_wait3A_90 : memref<1x64x768xf32, #tpu.memory_space<vmem>> -> memref<64x768xf32, #tpu.memory_space<vmem>>
    tpu.wait_dma2 semaphore(%arg10 : memref<!tpu.dma_semaphore, #tpu.memory_space<semaphore_mem>>) src(%dma_wait3A_91 : memref<64x768xf32, #tpu.memory_space<vmem>>) dst(%dma_wait3A_87 : memref<64x768xf32, #tpu.memory_space<hbm>>)
    %dma_wait3A_92 = arith.constant 0 : i32
    %dma_wait3A_93 = arith.constant 0 : i32
    %dma_wait3A_94 = arith.constant 0 : i32
    %dma_wait3A_95 = tpu.memref_slice %arg6[%dma_wait3A_92, %dma_wait3A_93, %dma_wait3A_94] : memref<2x64x768xf32, #tpu.memory_space<vmem>> -> memref<1x64x768xf32, #tpu.memory_space<vmem>>
    %dma_wait3A_96 = tpu.memref_squeeze %dma_wait3A_95 : memref<1x64x768xf32, #tpu.memory_space<vmem>> -> memref<64x768xf32, #tpu.memory_space<vmem>>
    %dma_wait3A_97 = arith.constant 0 : i32
    %dma_wait3A_98 = tpu.memref_slice %arg4[%add3A_38, %dma_wait3A_97] : memref<4096x768xf32, #tpu.memory_space<hbm>> -> memref<64x768xf32, #tpu.memory_space<hbm>>
    %dma_wait3A_99 = arith.constant 0 : i32
    %dma_wait3A_100 = tpu.memref_slice %arg4[%add3A_38, %dma_wait3A_99] : memref<4096x768xf32, #tpu.memory_space<hbm>> -> memref<64x768xf32, #tpu.memory_space<hbm>>
    %dma_wait3A_101 = arith.constant 0 : i32
    %dma_wait3A_102 = arith.constant 0 : i32
    %dma_wait3A_103 = tpu.memref_slice %arg6[%dma_wait3A_92, %dma_wait3A_101, %dma_wait3A_102] : memref<2x64x768xf32, #tpu.memory_space<vmem>> -> memref<1x64x768xf32, #tpu.memory_space<vmem>>
    %dma_wait3A_104 = tpu.memref_squeeze %dma_wait3A_103 : memref<1x64x768xf32, #tpu.memory_space<vmem>> -> memref<64x768xf32, #tpu.memory_space<vmem>>
    tpu.wait_dma2 semaphore(%arg9 : memref<!tpu.dma_semaphore, #tpu.memory_space<semaphore_mem>>) src(%dma_wait3A_104 : memref<64x768xf32, #tpu.memory_space<vmem>>) dst(%dma_wait3A_100 : memref<64x768xf32, #tpu.memory_space<hbm>>)
    return
  }
}

module attributes {stable_mosaic.version = 14 : i64} {
  func.func @_tc_body_first(%arg0: i32, %arg1: memref<2048x768xf32, #tpu.memory_space<vmem>>, %arg2: memref<2048x768xf32, #tpu.memory_space<vmem>>, %arg3: memref<2048x1xi32, #tpu.memory_space<vmem>>, %arg4: memref<2x768xf32, #tpu.memory_space<vmem>>, %arg5: memref<1x768xf32, #tpu.memory_space<vmem>>, %arg6: memref<1x768xf32, #tpu.memory_space<vmem>>, %arg7: memref<768x768xbf16, #tpu.memory_space<vmem>>, %arg8: memref<1x768xf32, #tpu.memory_space<vmem>>, %arg9: memref<2048x768xf32, #tpu.memory_space<vmem>>) attributes {dimension_semantics = [#tpu.dimension_semantics<arbitrary>], iteration_bounds = array<i64: 2>, scalar_prefetch = 0 : i64, scratch_operands = 0 : i64, tpu.core_type = #tpu.core_type<tc>, window_params = [{transform_indices = @transform_0, window_bounds = array<i64: 2048, 768>}, {transform_indices = @transform_1, window_bounds = array<i64: 2048, 768>}, {transform_indices = @transform_2, window_bounds = array<i64: 2048, 1>}, {pipeline_mode = #tpu.pipeline_mode<synchronous>, transform_indices = @transform_3, window_bounds = array<i64: 2, 768>}, {pipeline_mode = #tpu.pipeline_mode<synchronous>, transform_indices = @transform_4, window_bounds = array<i64: 1, 768>}, {pipeline_mode = #tpu.pipeline_mode<synchronous>, transform_indices = @transform_5, window_bounds = array<i64: 1, 768>}, {pipeline_mode = #tpu.pipeline_mode<synchronous>, transform_indices = @transform_6, window_bounds = array<i64: 768, 768>}, {pipeline_mode = #tpu.pipeline_mode<synchronous>, transform_indices = @transform_7, window_bounds = array<i64: 1, 768>}, {transform_indices = @transform_8, window_bounds = array<i64: 2048, 768>}]} {
    %get3A = arith.constant 0 : index
    %get3A_0 = arith.constant 0 : index
    %get3A_1 = vector.load %arg1[%get3A, %get3A_0] : memref<2048x768xf32, #tpu.memory_space<vmem>>, vector<2048x768xf32>
    %get3A_2 = arith.constant 0 : index
    %get3A_3 = arith.constant 0 : index
    %get3A_4 = vector.load %arg2[%get3A_2, %get3A_3] : memref<2048x768xf32, #tpu.memory_space<vmem>>, vector<2048x768xf32>
    %add3A = arith.addf %get3A_1, %get3A_4 : vector<2048x768xf32>
    %get3A_5 = arith.constant 0 : index
    %get3A_6 = arith.constant 0 : index
    %get3A_7 = vector.load %arg3[%get3A_5, %get3A_6] : memref<2048x1xi32, #tpu.memory_space<vmem>>, vector<2048x1xi32>
    %convert_element_type3A = arith.sitofp %get3A_7 : vector<2048x1xi32> to vector<2048x1xf32>
    %get3A_8 = arith.constant 0 : index
    %get3A_9 = arith.constant 0 : index
    %get3A_10 = vector.load %arg4[%get3A_8, %get3A_9] : memref<2x768xf32, #tpu.memory_space<vmem>>, vector<1x768xf32>
    %get3A_11 = arith.constant 1 : index
    %get3A_12 = arith.constant 0 : index
    %get3A_13 = vector.load %arg4[%get3A_11, %get3A_12] : memref<2x768xf32, #tpu.memory_space<vmem>>, vector<1x768xf32>
    %add3A_14 = vector.broadcast %get3A_10 : vector<1x768xf32> to vector<2048x768xf32>
    %add3A_15 = arith.addf %add3A, %add3A_14 : vector<2048x768xf32>
    %sub3A = arith.subf %get3A_13, %get3A_10 : vector<1x768xf32>
    %mul3A = vector.broadcast %convert_element_type3A : vector<2048x1xf32> to vector<2048x768xf32>
    %mul3A_16 = vector.broadcast %sub3A : vector<1x768xf32> to vector<2048x768xf32>
    %mul3A_17 = arith.mulf %mul3A, %mul3A_16 : vector<2048x768xf32>
    %add3A_18 = arith.addf %add3A_15, %mul3A_17 : vector<2048x768xf32>
    %reduce_sum3A = arith.constant dense<0.000000e+00> : vector<2048xf32>
    %reduce_sum3A_19 = vector.multi_reduction <add>, %add3A_18, %reduce_sum3A [1] : vector<2048x768xf32> to vector<2048xf32>
    %broadcast_in_dim3A = vector.shape_cast %reduce_sum3A_19 : vector<2048xf32> to vector<2048x1xf32>
    %mul3A_20 = arith.mulf %add3A_18, %add3A_18 : vector<2048x768xf32>
    %reduce_sum3A_21 = arith.constant dense<0.000000e+00> : vector<2048xf32>
    %reduce_sum3A_22 = vector.multi_reduction <add>, %mul3A_20, %reduce_sum3A_21 [1] : vector<2048x768xf32> to vector<2048xf32>
    %broadcast_in_dim3A_23 = vector.shape_cast %reduce_sum3A_22 : vector<2048xf32> to vector<2048x1xf32>
    %mul3A_24 = arith.constant 0.00130208337 : f32
    %mul3A_25 = vector.broadcast %mul3A_24 : f32 to vector<2048x1xf32>
    %mul3A_26 = arith.mulf %broadcast_in_dim3A, %mul3A_25 : vector<2048x1xf32>
    %mul3A_27 = arith.constant 0.00130208337 : f32
    %mul3A_28 = vector.broadcast %mul3A_27 : f32 to vector<2048x1xf32>
    %mul3A_29 = arith.mulf %broadcast_in_dim3A_23, %mul3A_28 : vector<2048x1xf32>
    %mul3A_30 = arith.mulf %mul3A_26, %mul3A_26 : vector<2048x1xf32>
    %sub3A_31 = arith.subf %mul3A_29, %mul3A_30 : vector<2048x1xf32>
    %sub3A_32 = vector.broadcast %mul3A_26 : vector<2048x1xf32> to vector<2048x768xf32>
    %sub3A_33 = arith.subf %add3A_18, %sub3A_32 : vector<2048x768xf32>
    %add3A_34 = arith.constant 9.99999996E-13 : f32
    %add3A_35 = vector.broadcast %add3A_34 : f32 to vector<2048x1xf32>
    %add3A_36 = arith.addf %sub3A_31, %add3A_35 : vector<2048x1xf32>
    %rsqrt3A = math.rsqrt %add3A_36 : vector<2048x1xf32>
    %mul3A_37 = vector.broadcast %rsqrt3A : vector<2048x1xf32> to vector<2048x768xf32>
    %mul3A_38 = arith.mulf %sub3A_33, %mul3A_37 : vector<2048x768xf32>
    %get3A_39 = arith.constant 0 : index
    %get3A_40 = arith.constant 0 : index
    %get3A_41 = vector.load %arg5[%get3A_39, %get3A_40] : memref<1x768xf32, #tpu.memory_space<vmem>>, vector<1x768xf32>
    %mul3A_42 = vector.broadcast %get3A_41 : vector<1x768xf32> to vector<2048x768xf32>
    %mul3A_43 = arith.mulf %mul3A_38, %mul3A_42 : vector<2048x768xf32>
    %get3A_44 = arith.constant 0 : index
    %get3A_45 = arith.constant 0 : index
    %get3A_46 = vector.load %arg6[%get3A_44, %get3A_45] : memref<1x768xf32, #tpu.memory_space<vmem>>, vector<1x768xf32>
    %add3A_47 = vector.broadcast %get3A_46 : vector<1x768xf32> to vector<2048x768xf32>
    %add3A_48 = arith.addf %mul3A_43, %add3A_47 : vector<2048x768xf32>
    %convert_element_type3A_49 = arith.truncf %add3A_48 : vector<2048x768xf32> to vector<2048x768xbf16>
    %get3A_50 = arith.constant 0 : index
    %get3A_51 = arith.constant 0 : index
    %get3A_52 = vector.load %arg7[%get3A_50, %get3A_51] : memref<768x768xbf16, #tpu.memory_space<vmem>>, vector<768x768xbf16>
    %dot_general3A = arith.constant dense<0.000000e+00> : vector<2048x768xf32>
    %dot_general3A_53 = tpu.matmul %convert_element_type3A_49, %get3A_52, %dot_general3A {dimension_numbers = #tpu.dot_dimension_numbers<[1], [1], [0], [0], [0, 0, 1, 0], [], []>, transpose_lhs_hint = false} : vector<2048x768xbf16>, vector<768x768xbf16>, vector<2048x768xf32> -> vector<2048x768xf32>
    %get3A_54 = arith.constant 0 : index
    %get3A_55 = arith.constant 0 : index
    %get3A_56 = vector.load %arg8[%get3A_54, %get3A_55] : memref<1x768xf32, #tpu.memory_space<vmem>>, vector<1x768xf32>
    %add3A_57 = vector.broadcast %get3A_56 : vector<1x768xf32> to vector<2048x768xf32>
    %add3A_58 = arith.addf %dot_general3A_53, %add3A_57 : vector<2048x768xf32>
    %swap3A = arith.constant 0 : index
    %swap3A_59 = arith.constant 0 : index
    %swap3A_60 = vector.load %arg9[%swap3A, %swap3A_59] : memref<2048x768xf32, #tpu.memory_space<vmem>>, vector<2048x768xf32>
    tpu.vector_store %arg9[%swap3A, %swap3A_59], %add3A_58 {strides = array<i32>} : memref<2048x768xf32, #tpu.memory_space<vmem>>, vector<2048x768xf32>,
    return
  }
  func.func @transform_0(%arg0: i32) -> (i32, i32) {
    %c0_i32 = arith.constant 0 : i32
    %c0_i32_0 = arith.constant 0 : i32
    return %arg0, %c0_i32 : i32, i32
  }
  func.func @transform_1(%arg0: i32) -> (i32, i32) {
    %add3A = arith.constant 0 : i32
    %add3A_0 = arith.addi %add3A, %arg0 : i32
    %c0_i32 = arith.constant 0 : i32
    %c0_i32_1 = arith.constant 0 : i32
    return %add3A_0, %c0_i32 : i32, i32
  }
  func.func @transform_2(%arg0: i32) -> (i32, i32) {
    %add3A = arith.constant 0 : i32
    %add3A_0 = arith.addi %add3A, %arg0 : i32
    %c0_i32 = arith.constant 0 : i32
    %c0_i32_1 = arith.constant 0 : i32
    return %add3A_0, %c0_i32 : i32, i32
  }
  func.func @transform_3(%arg0: i32) -> (i32, i32) {
    %c0_i32 = arith.constant 0 : i32
    %c0_i32_0 = arith.constant 0 : i32
    %c0_i32_1 = arith.constant 0 : i32
    return %c0_i32, %c0_i32_0 : i32, i32
  }
  func.func @transform_4(%arg0: i32) -> (i32, i32) {
    %c0_i32 = arith.constant 0 : i32
    %c0_i32_0 = arith.constant 0 : i32
    %c0_i32_1 = arith.constant 0 : i32
    return %c0_i32, %c0_i32_0 : i32, i32
  }
  func.func @transform_5(%arg0: i32) -> (i32, i32) {
    %c0_i32 = arith.constant 0 : i32
    %c0_i32_0 = arith.constant 0 : i32
    %c0_i32_1 = arith.constant 0 : i32
    return %c0_i32, %c0_i32_0 : i32, i32
  }
  func.func @transform_6(%arg0: i32) -> (i32, i32) {
    %c0_i32 = arith.constant 0 : i32
    %c0_i32_0 = arith.constant 0 : i32
    %c0_i32_1 = arith.constant 0 : i32
    return %c0_i32, %c0_i32_0 : i32, i32
  }
  func.func @transform_7(%arg0: i32) -> (i32, i32) {
    %c0_i32 = arith.constant 0 : i32
    %c0_i32_0 = arith.constant 0 : i32
    %c0_i32_1 = arith.constant 0 : i32
    return %c0_i32, %c0_i32_0 : i32, i32
  }
  func.func @transform_8(%arg0: i32) -> (i32, i32) {
    %add3A = arith.constant 0 : i32
    %add3A_0 = arith.addi %add3A, %arg0 : i32
    %c0_i32 = arith.constant 0 : i32
    %c0_i32_1 = arith.constant 0 : i32
    return %add3A_0, %c0_i32 : i32, i32
  }
}

module attributes {stable_mosaic.version = 14 : i64} {
  func.func @_tc_body_chained(%arg0: i32, %arg1: memref<2048x768xf32, #tpu.memory_space<vmem>>, %arg2: memref<2048x768xf32, #tpu.memory_space<vmem>>, %arg3: memref<2048x1xi32, #tpu.memory_space<vmem>>, %arg4: memref<2x768xf32, #tpu.memory_space<vmem>>, %arg5: memref<1x768xf32, #tpu.memory_space<vmem>>, %arg6: memref<1x768xf32, #tpu.memory_space<vmem>>, %arg7: memref<768x768xbf16, #tpu.memory_space<vmem>>, %arg8: memref<1x768xf32, #tpu.memory_space<vmem>>, %arg9: memref<8192x768xf32, #tpu.memory_space<any>>, %arg10: memref<2048x768xf32, #tpu.memory_space<vmem>>) attributes {dimension_semantics = [#tpu.dimension_semantics<arbitrary>], iteration_bounds = array<i64: 2>, scalar_prefetch = 0 : i64, scratch_operands = 0 : i64, tpu.core_type = #tpu.core_type<tc>, window_params = [{transform_indices = @transform_0, window_bounds = array<i64: 2048, 768>}, {transform_indices = @transform_1, window_bounds = array<i64: 2048, 768>}, {transform_indices = @transform_2, window_bounds = array<i64: 2048, 1>}, {pipeline_mode = #tpu.pipeline_mode<synchronous>, transform_indices = @transform_3, window_bounds = array<i64: 2, 768>}, {pipeline_mode = #tpu.pipeline_mode<synchronous>, transform_indices = @transform_4, window_bounds = array<i64: 1, 768>}, {pipeline_mode = #tpu.pipeline_mode<synchronous>, transform_indices = @transform_5, window_bounds = array<i64: 1, 768>}, {pipeline_mode = #tpu.pipeline_mode<synchronous>, transform_indices = @transform_6, window_bounds = array<i64: 768, 768>}, {pipeline_mode = #tpu.pipeline_mode<synchronous>, transform_indices = @transform_7, window_bounds = array<i64: 1, 768>}, {}, {transform_indices = @transform_9, window_bounds = array<i64: 2048, 768>}]} {
    %get3A = arith.constant 0 : index
    %get3A_0 = arith.constant 0 : index
    %get3A_1 = vector.load %arg1[%get3A, %get3A_0] : memref<2048x768xf32, #tpu.memory_space<vmem>>, vector<2048x768xf32>
    %get3A_2 = arith.constant 0 : index
    %get3A_3 = arith.constant 0 : index
    %get3A_4 = vector.load %arg2[%get3A_2, %get3A_3] : memref<2048x768xf32, #tpu.memory_space<vmem>>, vector<2048x768xf32>
    %add3A = arith.addf %get3A_1, %get3A_4 : vector<2048x768xf32>
    %get3A_5 = arith.constant 0 : index
    %get3A_6 = arith.constant 0 : index
    %get3A_7 = vector.load %arg3[%get3A_5, %get3A_6] : memref<2048x1xi32, #tpu.memory_space<vmem>>, vector<2048x1xi32>
    %convert_element_type3A = arith.sitofp %get3A_7 : vector<2048x1xi32> to vector<2048x1xf32>
    %get3A_8 = arith.constant 0 : index
    %get3A_9 = arith.constant 0 : index
    %get3A_10 = vector.load %arg4[%get3A_8, %get3A_9] : memref<2x768xf32, #tpu.memory_space<vmem>>, vector<1x768xf32>
    %get3A_11 = arith.constant 1 : index
    %get3A_12 = arith.constant 0 : index
    %get3A_13 = vector.load %arg4[%get3A_11, %get3A_12] : memref<2x768xf32, #tpu.memory_space<vmem>>, vector<1x768xf32>
    %add3A_14 = vector.broadcast %get3A_10 : vector<1x768xf32> to vector<2048x768xf32>
    %add3A_15 = arith.addf %add3A, %add3A_14 : vector<2048x768xf32>
    %sub3A = arith.subf %get3A_13, %get3A_10 : vector<1x768xf32>
    %mul3A = vector.broadcast %convert_element_type3A : vector<2048x1xf32> to vector<2048x768xf32>
    %mul3A_16 = vector.broadcast %sub3A : vector<1x768xf32> to vector<2048x768xf32>
    %mul3A_17 = arith.mulf %mul3A, %mul3A_16 : vector<2048x768xf32>
    %add3A_18 = arith.addf %add3A_15, %mul3A_17 : vector<2048x768xf32>
    %reduce_sum3A = arith.constant dense<0.000000e+00> : vector<2048xf32>
    %reduce_sum3A_19 = vector.multi_reduction <add>, %add3A_18, %reduce_sum3A [1] : vector<2048x768xf32> to vector<2048xf32>
    %broadcast_in_dim3A = vector.shape_cast %reduce_sum3A_19 : vector<2048xf32> to vector<2048x1xf32>
    %mul3A_20 = arith.mulf %add3A_18, %add3A_18 : vector<2048x768xf32>
    %reduce_sum3A_21 = arith.constant dense<0.000000e+00> : vector<2048xf32>
    %reduce_sum3A_22 = vector.multi_reduction <add>, %mul3A_20, %reduce_sum3A_21 [1] : vector<2048x768xf32> to vector<2048xf32>
    %broadcast_in_dim3A_23 = vector.shape_cast %reduce_sum3A_22 : vector<2048xf32> to vector<2048x1xf32>
    %mul3A_24 = arith.constant 0.00130208337 : f32
    %mul3A_25 = vector.broadcast %mul3A_24 : f32 to vector<2048x1xf32>
    %mul3A_26 = arith.mulf %broadcast_in_dim3A, %mul3A_25 : vector<2048x1xf32>
    %mul3A_27 = arith.constant 0.00130208337 : f32
    %mul3A_28 = vector.broadcast %mul3A_27 : f32 to vector<2048x1xf32>
    %mul3A_29 = arith.mulf %broadcast_in_dim3A_23, %mul3A_28 : vector<2048x1xf32>
    %mul3A_30 = arith.mulf %mul3A_26, %mul3A_26 : vector<2048x1xf32>
    %sub3A_31 = arith.subf %mul3A_29, %mul3A_30 : vector<2048x1xf32>
    %sub3A_32 = vector.broadcast %mul3A_26 : vector<2048x1xf32> to vector<2048x768xf32>
    %sub3A_33 = arith.subf %add3A_18, %sub3A_32 : vector<2048x768xf32>
    %add3A_34 = arith.constant 9.99999996E-13 : f32
    %add3A_35 = vector.broadcast %add3A_34 : f32 to vector<2048x1xf32>
    %add3A_36 = arith.addf %sub3A_31, %add3A_35 : vector<2048x1xf32>
    %rsqrt3A = math.rsqrt %add3A_36 : vector<2048x1xf32>
    %mul3A_37 = vector.broadcast %rsqrt3A : vector<2048x1xf32> to vector<2048x768xf32>
    %mul3A_38 = arith.mulf %sub3A_33, %mul3A_37 : vector<2048x768xf32>
    %get3A_39 = arith.constant 0 : index
    %get3A_40 = arith.constant 0 : index
    %get3A_41 = vector.load %arg5[%get3A_39, %get3A_40] : memref<1x768xf32, #tpu.memory_space<vmem>>, vector<1x768xf32>
    %mul3A_42 = vector.broadcast %get3A_41 : vector<1x768xf32> to vector<2048x768xf32>
    %mul3A_43 = arith.mulf %mul3A_38, %mul3A_42 : vector<2048x768xf32>
    %get3A_44 = arith.constant 0 : index
    %get3A_45 = arith.constant 0 : index
    %get3A_46 = vector.load %arg6[%get3A_44, %get3A_45] : memref<1x768xf32, #tpu.memory_space<vmem>>, vector<1x768xf32>
    %add3A_47 = vector.broadcast %get3A_46 : vector<1x768xf32> to vector<2048x768xf32>
    %add3A_48 = arith.addf %mul3A_43, %add3A_47 : vector<2048x768xf32>
    %convert_element_type3A_49 = arith.truncf %add3A_48 : vector<2048x768xf32> to vector<2048x768xbf16>
    %get3A_50 = arith.constant 0 : index
    %get3A_51 = arith.constant 0 : index
    %get3A_52 = vector.load %arg7[%get3A_50, %get3A_51] : memref<768x768xbf16, #tpu.memory_space<vmem>>, vector<768x768xbf16>
    %dot_general3A = arith.constant dense<0.000000e+00> : vector<2048x768xf32>
    %dot_general3A_53 = tpu.matmul %convert_element_type3A_49, %get3A_52, %dot_general3A {dimension_numbers = #tpu.dot_dimension_numbers<[1], [1], [0], [0], [0, 0, 1, 0], [], []>, transpose_lhs_hint = false} : vector<2048x768xbf16>, vector<768x768xbf16>, vector<2048x768xf32> -> vector<2048x768xf32>
    %get3A_54 = arith.constant 0 : index
    %get3A_55 = arith.constant 0 : index
    %get3A_56 = vector.load %arg8[%get3A_54, %get3A_55] : memref<1x768xf32, #tpu.memory_space<vmem>>, vector<1x768xf32>
    %add3A_57 = vector.broadcast %get3A_56 : vector<1x768xf32> to vector<2048x768xf32>
    %add3A_58 = arith.addf %dot_general3A_53, %add3A_57 : vector<2048x768xf32>
    %swap3A = arith.constant 0 : index
    %swap3A_59 = arith.constant 0 : index
    %swap3A_60 = vector.load %arg10[%swap3A, %swap3A_59] : memref<2048x768xf32, #tpu.memory_space<vmem>>, vector<2048x768xf32>
    tpu.vector_store %arg10[%swap3A, %swap3A_59], %add3A_58 {strides = array<i32>} : memref<2048x768xf32, #tpu.memory_space<vmem>>, vector<2048x768xf32>,
    return
  }
  func.func @transform_0(%arg0: i32) -> (i32, i32) {
    %c0_i32 = arith.constant 0 : i32
    %c0_i32_0 = arith.constant 0 : i32
    return %arg0, %c0_i32 : i32, i32
  }
  func.func @transform_1(%arg0: i32) -> (i32, i32) {
    %add3A = arith.constant 2 : i32
    %add3A_0 = arith.addi %add3A, %arg0 : i32
    %c0_i32 = arith.constant 0 : i32
    %c0_i32_1 = arith.constant 0 : i32
    return %add3A_0, %c0_i32 : i32, i32
  }
  func.func @transform_2(%arg0: i32) -> (i32, i32) {
    %add3A = arith.constant 2 : i32
    %add3A_0 = arith.addi %add3A, %arg0 : i32
    %c0_i32 = arith.constant 0 : i32
    %c0_i32_1 = arith.constant 0 : i32
    return %add3A_0, %c0_i32 : i32, i32
  }
  func.func @transform_3(%arg0: i32) -> (i32, i32) {
    %c0_i32 = arith.constant 0 : i32
    %c0_i32_0 = arith.constant 0 : i32
    %c0_i32_1 = arith.constant 0 : i32
    return %c0_i32, %c0_i32_0 : i32, i32
  }
  func.func @transform_4(%arg0: i32) -> (i32, i32) {
    %c0_i32 = arith.constant 0 : i32
    %c0_i32_0 = arith.constant 0 : i32
    %c0_i32_1 = arith.constant 0 : i32
    return %c0_i32, %c0_i32_0 : i32, i32
  }
  func.func @transform_5(%arg0: i32) -> (i32, i32) {
    %c0_i32 = arith.constant 0 : i32
    %c0_i32_0 = arith.constant 0 : i32
    %c0_i32_1 = arith.constant 0 : i32
    return %c0_i32, %c0_i32_0 : i32, i32
  }
  func.func @transform_6(%arg0: i32) -> (i32, i32) {
    %c0_i32 = arith.constant 0 : i32
    %c0_i32_0 = arith.constant 0 : i32
    %c0_i32_1 = arith.constant 0 : i32
    return %c0_i32, %c0_i32_0 : i32, i32
  }
  func.func @transform_7(%arg0: i32) -> (i32, i32) {
    %c0_i32 = arith.constant 0 : i32
    %c0_i32_0 = arith.constant 0 : i32
    %c0_i32_1 = arith.constant 0 : i32
    return %c0_i32, %c0_i32_0 : i32, i32
  }
  func.func @transform_9(%arg0: i32) -> (i32, i32) {
    %add3A = arith.constant 2 : i32
    %add3A_0 = arith.addi %add3A, %arg0 : i32
    %c0_i32 = arith.constant 0 : i32
    %c0_i32_1 = arith.constant 0 : i32
    return %add3A_0, %c0_i32 : i32, i32
  }
}

</mosaic_0001>

<sc_bundles>
// kernel: kernel.6.cloned.1.call-start
scs
__scs_entry_jumppad:
0x0: {  	(pc) =	sbr.rel $0x88, $3  }
0x1: {  	(tag) =	ssettag $0x0;
	lr =	simm.s32 $0x1  }
0x2: {  	[smem:$0x3F98] =	sst lr;
	_ =	strace $0xD0000000  }
0x3: {  	_ = 	snop  }
0x4: {  	_ = 	snop  }
0x5: {  	_ = 	snop  }
0x6: {  	_ = 	snop  }
0x7: {  	_ = 	snop  }
__scs_overlays_trampoline_lowered:
0x8: {  	[smem:$0x3FA7] =	sst s0  }
0x9: {  	[smem:$0x3FA8] =	sst s1  }
0xa: {  	[smem:$0x3FA9] =	sst s2  }
0xb: {  	[smem:$0x3FAA] =	sst s3  }
0xc: {  	[smem:$0x3FAB] =	sst s4  }
0xd: {  	[smem:$0x3FAC] =	sst s5  }
0xe: {  	[smem:$0x3FAD] =	sst s6  }
0xf: {  	[smem:$0x3FAE] =	sst s7  }
0x10: {  	[smem:$0x3FAF] =	sst s8  }
0x11: {  	[smem:$0x3FB0] =	sst s9;
	s0 =	simm.s32 @!p0 $0x0  }
0x12: {  	s1 =	sld [smem:$0x3F96];
	s0 =	simm.s32 @p0 $0x1  }
0x13: {  	[smem:$0x3FB1] =	sst s0;
	s0 =	simm.s32 @!p1 $0x0  }
0x14: {  	s2 =	sld [smem:$0x3F95];
	s0 =	simm.s32 @p1 $0x1  }
0x15: {  	[smem:$0x3FB2] =	sst s0;
	s0 =	simm.s32 @!p2 $0x0  }
0x16: {  	s3 =	sld [smem:$0x3FDB];
	s0 =	simm.s32 @p2 $0x1  }
0x17: {  	s4 =	simm.s32 $0x1BF5;
	[smem:$0x3FB4] =	sst s0  }
0x18: {  	s0 =	sld [smem:$0x3F97];
	_ =	swait.ge [sflag:s4], $0x0  }
0x19: {  	s7 =	sld [smem:$0x3F98]  }
0x1a: {  	s8 =	sadd.s32 $0xFFFFE003, lr  }
0x1b: {  	s9 =	sadd.s32 $0xFFFFFEF7, lr;
	s5 =	simm.s32 $0xFFFFFFFF;
	p2 =	slt.u32 s8, $0xFFFFF086  }
0x1c: {  	p1 =	slt.u32 s9, $0xF7A;
	s5 =	simm.s32 @!p2 $0x0  }
0x1d: {  	s5 =	simm.s32 @p1 $0x1;
	p0 =	seq.s32 s7, s2  }
0x1e: {  	s7 =	smul.u32 @!p0 $0xF7A, s2;
	p2 =	seq.s32 @!p0 s5, $0x0  }
0x1f: {  	s9 =	smul.u32 $0xF7A, s1;
	s8 =	simm.s32 @!p0 $0x1BF5;
	p2 =	por !p2, p0  }
0x20: {  	[sflag:s8] =	ssyncset.s32 @!p0 $0xFFFFF086;
	s6 =	sadd.s32 @!p0 s3, s7;
	s7 =	simm.s32 @!p0 $0x108  }
0x21: {  	s3 =	sadd.s32 s3, s9;
	s6 =	sadd.s32 @!p0 $0x88, s6;
	s7 =	simm.s32 @p2 $0x1082  }
0x22: {  	[simem:s7], [sflag:s8] =	dma.local @!p0 [hbm:s6], $0xF7A  }
0x23: {  	s9 =	sor.u32 $0xD0000000, s2;
	s6 =	simm.s32 $0x108;
	_ =	swait.ge @!p0 [sflag:s8], $0x0  }
0x24: {  	s3 =	sadd.s32 $0x88, s3;
	s6 =	simm.s32 @!p1 $0x1082;
	[sflag:s4] =	ssyncset.s32 $0xFFFFF086  }
0x25: {  	[simem:s6], [sflag:s4] =	dma.local [hbm:s3], $0xF7A  }
0x26: {  	[smem:$0x3F98] =	sst s1;
	(tag) =	ssettag s2;
	_ =	strace s9  }
0x27: {  	s1 =	sld [smem:$0x3FA8]  }
0x28: {  	s2 =	sld [smem:$0x3FA9]  }
0x29: {  	s4 =	sld [smem:$0x3FAB]  }
0x2a: {  	p0 =	seq.s32 s5, $0x0;
	s5 =	sld [smem:$0x3FAC]  }
0x2b: {  	s6 =	sld [smem:$0x3FAD]  }
0x2c: {  	s7 =	sld [smem:$0x3FAE]  }
0x2d: {  	s3 =	simm.s32 $0x108;
	s8 =	sld [smem:$0x3FAF]  }
0x2e: {  	s3 =	simm.s32 @!p0 $0x1082;
	s9 =	sld [smem:$0x3FB0]  }
0x2f: {  	lr =	sadd.s32 s0, s3;
	s0 =	sld [smem:$0x3FA7]  }
0x30: {  	s3 =	sld [smem:$0x3FAA]  }
0x31: {  	[smem:$0x3FB3] =	sst s10  }
0x32: {  	s10 =	sld [smem:$0x3FB1];
	_ =	sdelay $0x3  }
0x33: {  	p0 =	seq.s32 s10, $0x1;
	s10 =	sld [smem:$0x3FB3];
	_ =	sdelay $0x3  }
0x34: {  	[smem:$0x3FB3] =	sst s10  }
0x35: {  	s10 =	sld [smem:$0x3FB2];
	_ =	sdelay $0x3  }
0x36: {  	p1 =	seq.s32 s10, $0x1;
	s10 =	sld [smem:$0x3FB3];
	_ =	sdelay $0x3  }
0x37: {  	[smem:$0x3FB3] =	sst s10  }
0x38: {  	s10 =	sld [smem:$0x3FB4]  }
0x39: {  	_ = 	snop;
	(pc) =	sbr.ind lr, $3  }
0x3a: {  	_ = 	snop  }
0x3b: {  	_ = 	snop  }
0x3c: {  	p2 =	seq.s32 s10, $0x1;
	s10 =	sld [smem:$0x3FB3]  }
0x3d: {  	_ =	shalt  }
0x3e: {  	_ =	shalt  }
0x3f: {  	_ =	shalt  }
0x40: {  	_ =	shalt  }
0x41: {  	_ =	shalt  }
0x42: {  	_ =	shalt  }
0x43: {  	_ =	shalt  }
0x44: {  	_ =	shalt  }
0x45: {  	_ =	shalt  }
0x46: {  	_ =	shalt  }
0x47: {  	_ =	shalt  }
0x48: {  	_ =	shalt  }
0x49: {  	_ =	shalt  }
0x4a: {  	_ =	shalt  }
0x4b: {  	_ =	shalt  }
0x4c: {  	_ =	shalt  }
0x4d: {  	_ =	shalt  }
0x4e: {  	_ =	shalt  }
0x4f: {  	_ =	shalt  }
0x50: {  	_ =	shalt  }
0x51: {  	_ =	shalt  }
0x52: {  	_ =	shalt  }
0x53: {  	_ =	shalt  }
0x54: {  	_ =	shalt  }
0x55: {  	_ =	shalt  }
0x56: {  	_ =	shalt  }
0x57: {  	_ =	shalt  }
0x58: {  	_ =	shalt  }
0x59: {  	_ =	shalt  }
0x5a: {  	_ =	shalt  }
0x5b: {  	_ =	shalt  }
0x5c: {  	_ =	shalt  }
0x5d: {  	_ =	shalt  }
0x5e: {  	_ =	shalt  }
0x5f: {  	_ =	shalt  }
0x60: {  	_ =	shalt  }
0x61: {  	_ =	shalt  }
0x62: {  	_ =	shalt  }
0x63: {  	_ =	shalt  }
0x64: {  	_ =	shalt  }
0x65: {  	_ =	shalt  }
0x66: {  	_ =	shalt  }
0x67: {  	_ =	shalt  }
0x68: {  	_ =	shalt  }
0x69: {  	_ =	shalt  }
0x6a: {  	_ =	shalt  }
0x6b: {  	_ =	shalt  }
0x6c: {  	_ =	shalt  }
0x6d: {  	_ =	shalt  }
0x6e: {  	_ =	shalt  }
0x6f: {  	_ =	shalt  }
0x70: {  	_ =	shalt  }
0x71: {  	_ =	shalt  }
0x72: {  	_ =	shalt  }
0x73: {  	_ =	shalt  }
0x74: {  	_ =	shalt  }
0x75: {  	_ =	shalt  }
0x76: {  	_ =	shalt  }
0x77: {  	_ =	shalt  }
0x78: {  	_ =	shalt  }
0x79: {  	_ =	shalt  }
0x7a: {  	_ =	shalt  }
0x7b: {  	_ =	shalt  }
0x7c: {  	_ =	shalt  }
0x7d: {  	_ =	shalt  }
0x7e: {  	_ =	shalt  }
0x7f: {  	_ =	shalt  }
0x80: {  	_ =	shalt  }
0x81: {  	_ =	shalt  }
0x82: {  	_ =	shalt  }
0x83: {  	_ =	shalt  }
0x84: {  	_ =	shalt  }
0x85: {  	_ =	shalt  }
0x86: {  	_ =	shalt  }
0x87: {  	_ =	shalt  }
.Lfunc_end0:
.L_simem_size_0:
called_computation_lowered:
.L_overlay_start_0:
0x88: {  	s2 =	sld [smem:$0x3FD9]  }
0x89: {  	s3 =	sld [smem:$0x3FFE];
	_ =	sdelay $0x1  }
0x8a: {  	s1 =	srdreg.scid  }
0x8b: {  	s0 =	sand.u32 $0x1, s1  }
0x8c: {  	s17 =	sshll.u32 s0, $0xA;
	s2 =	sadd.s32 s3, s2  }
0x8d: {  	s2 =	sadd.s32 s2, s17  }
0x8e: {  	[smem:$0x3FBF] =	sst s2  }
0x8f: {  	_ = 	snop  }
0x90: {  	s2 =	sld [smem:$0x3FC7]  }
0x91: {  	s18 =	sld [smem:$0x3FD0];
	(tm) =	ssettm $0x1  }
0x92: {  	s4 =	sld [smem:$0x3FFB];
	_ =	sdelay $0x3  }
0x93: {  	_ =	strace s4  }
0x94: {  	s4 =	sld [smem:$0x3FFC];
	_ =	sdelay $0x3  }
0x95: {  	_ =	strace s4  }
0x96: {  	s4 =	sld [smem:$0x3FFD];
	_ =	sdelay $0x3  }
0x97: {  	_ =	strace s4  }
0x98: {  	_ =	strace $0x8FFFFFFF  }
0x99: {  	s19 =	sld [smem:$0x3FDB];
	_ =	sdelay $0x1  }
0x9a: {  	s5 =	simm.s32 $_scs_section_size  }
0x9b: {  	s6 =	simm.s32 $_size__tile_overlayer_lowered;
	s7 =	simm.s32 $_tile_overlayer_lowered  }
0x9c: {  	s22 =	simm.s32 $0x1BFF;
	s21 =	sshll.u32 s7, $0x1;
	s4 =	sadd.s32 s5, s19  }
0x9d: {  	s8 =	simm.s32 $0x0;
	s20 =	sshll.u32 s6, $0x1;
	s6 =	sadd.s32 s21, s4  }
0x9e: {  	[timem:s8], [sflag:s22] =	dma.local [hbm:s6], s20  }
0x9f: {  	_ =	swait.ge [sflag:s22], s20  }
0xa0: {  	s5 =	ssub.s32 $0x0, s20;
	[sflag:s22] =	ssyncset.done $0x0  }
0xa1: {  	[sflag:s22] =	ssyncadd.s32 s5;
	_ =	sdelay $0x1  }
0xa2: {  	s23 =	simm.s32 $0x1B8B  }
0xa3: {  	_ =	swait.ge [sflag:s23], $0x1  }
0xa4: {  	[sflag:s23] =	ssyncset.done $0x0  }
0xa5: {  	s25 =	simm.s32 $0x1B8E;
	s24 =	sld [smem:$0x3FFE];
	[sflag:s23] =	ssyncadd.s32 $0xFFFFFFFF  }
0xa6: {  	s26 =	simm.s32 $execute0_lowered;
	[smem:$0x3FD2] =	sst s25  }
0xa7: {  	s6 =	sshll.u32 s26, $0x1;
	_ =	strace $0x80000046;
	[dreg:$0x1] =	wrdreg $0xFFFFFFFF  }
0xa8: {  	s28 =	simm.s32 $_size_execute0_lowered;
	s4 =	sadd.s32 s4, s6;
	[dreg:$0x0] =	wrdreg $0x0  }
0xa9: {  	s6 =	sshll.u32 s28, $0x1;
	[dreg:$0x2] =	wrdreg s4  }
0xaa: {  	[dreg:$0x3] =	wrdreg s6  }
0xab: {  	[dreg:$0x4] =	wrdreg $0xC0  }
0xac: {  	_ =	task [dreg:s8], $0x5FFFF  }
0xad: {  	[dreg:$0x1] =	wrdreg $0xFFFFFFFF  }
0xae: {  	[dreg:$0x0] =	wrdreg $0x60  }
0xaf: {  	[dreg:$0x2] =	wrdreg s24  }
0xb0: {  	[dreg:$0x3] =	wrdreg s2  }
0xb1: {  	[dreg:$0x4] =	wrdreg s18  }
0xb2: {  	[dreg:$0x5] =	wrdreg $0x9  }
0xb3: {  	_ =	task.clear_ibuf [dreg:s8], $0x6FFFF;
	_ =	strace $0x90000046  }
0xb4: {  	s29 =	simm.s32 $0x9;
	_ =	strace $0x80000048  }
0xb5: {  	_ =	swait.ge [sflag:s29], $0x1  }
0xb6: {  	[sflag:s29] =	ssyncadd.s32 $0xFFFFFFFF  }
0xb7: {  	_ =	strace $0x90000048  }
0xb8: {  	_ =	sfence  }
0xb9: {  	s30 =	sld [smem:$0x0];
	_ =	sdelay $0x2  }
0xba: {  	s31 =	sshll.u32 s1, $0xD;
	s1 =	sshrl.u32 s1, $0x2  }
0xbb: {  	s3 =	sand.u32 $0x4000, s31;
	s1 =	sadd.s32 s1, s30  }
0xbc: {  	s0 =	sor.u32 s3, s0;
	s1 =	sshll.u32 s1, $0x11  }
0xbd: {  	s0 =	sor.u32 s1, s0  }
0xbe: {  	s0 =	sadd.s32 $0x8F2B, s0  }
0xbf: {  	[sflag:s0] =	ssyncadd.remote.s32 $0x1  }
0xc0: {  	_ =	sfence.sel $0xFFFF  }
0xc1: {  	[dreg:$0x0] =	wrdreg $0xFFFFFFFF;
	(pc) =	sbr.abs _section_cstart, $3  }
0xc2: {  	[dreg:$0x1] =	wrdreg $0xFFFFFFFF  }
0xc3: {  	_ =	task.clear_ibuf [dreg:s8], $0x2FFFF;
	_ =	strace $0x9FFFFFFF  }
0xc4: {  	(tm) =	ssettm $0x7FFFFFFF  }
0xc5: {  	_ =	shalt  }
tec
execute0_lowered:
.L_overlay_start_1:
0x0: {  	(tag) =	ssettag $0x1  }
0x1: {  	s1 =	rddreg [dreg:$0x0]  }
0x2: {  	s2 =	rddreg [dreg:$0x1];
	s3 =	srdreg.scid  }
0x3: {  	s4 =	rddreg [dreg:$0x2];
	s5 =	sand.u32 $0x1, s3;
	s3 =	simm.s32 $0x0  }
0x4: {  	s20 =	simm.s32 $0x900;
	[smem:$0x7FF] =	sst s3  }
0x5: {  	s21 =	simm.s32 $0x1100;
	_ =	strace $0x80000047;
	[dreg:$0x7] =	wrdreg s20  }
0x6: {  	s22 =	simm.s32 $0x1900;
	[dreg:$0x8] =	wrdreg s21  }
0x7: {  	s23 =	simm.s32 $0x2100;
	[dreg:$0x9] =	wrdreg s22  }
0x8: {  	s24 =	simm.s32 $0x2900;
	[dreg:$0xa] =	wrdreg s23  }
0x9: {  	s25 =	simm.s32 $0x3100;
	[dreg:$0xb] =	wrdreg s24  }
0xa: {  	s0 =	stileid.u32;
	s26 =	simm.s32 $0x3900;
	[dreg:$0xc] =	wrdreg s25  }
0xb: {  	s16 =	sshll.u32 s0, $0x1;
	s0 =	simm.s32 $0x4100;
	[dreg:$0xd] =	wrdreg s26  }
0xc: {  	s9 =	simm.s32 $0x6900;
	s10 =	simm.s32 $0x7100;
	[dreg:$0xe] =	wrdreg s0  }
0xd: {  	s11 =	simm.s32 $0x7900;
	s12 =	simm.s32 $0x8100;
	[dreg:$0x13] =	wrdreg s9  }
0xe: {  	s13 =	simm.s32 $0x8900;
	s14 =	simm.s32 $0x9100;
	[dreg:$0x14] =	wrdreg s10  }
0xf: {  	s15 =	simm.s32 $0x9900;
	s28 =	simm.s32 $0x17900;
	[dreg:$0x15] =	wrdreg s11  }
0x10: {  	s29 =	simm.s32 $0x1;
	s30 =	simm.s32 $0x2;
	[dreg:$0x16] =	wrdreg s12  }
0x11: {  	s31 =	simm.s32 $0x4;
	s6 =	sor.u32 s5, s16;
	[dreg:$0x17] =	wrdreg s13  }
0x12: {  	s16 =	simm.s32 $0xA100;
	s8 =	smul.u32 $0x18000, s6;
	[dreg:$0x18] =	wrdreg s14  }
0x13: {  	s7 =	sshll.u32 s6, $0x5;
	s6 =	smul.u32 $0x3000, s6;
	[dreg:$0x19] =	wrdreg s15  }
0x14: {  	[dreg:$0x1a] =	wrdreg s16;
	s21 =	simm.s32 $0xB900;
	s22 =	simm.s32 $0xC900  }
0x15: {  	s23 =	simm.s32 $0xD100;
	s24 =	simm.s32 $0xD900;
	s25 =	simm.s32 $0xE100  }
0x16: {  	s26 =	simm.s32 $0xE900;
	s9 =	simm.s32 $0xC100;
	[dreg:$0x1d] =	wrdreg s21  }
0x17: {  	s11 =	simm.s32 $0xF900;
	s12 =	simm.s32 $0x10100;
	[dreg:$0x1e] =	wrdreg s22  }
0x18: {  	s13 =	simm.s32 $0x10900;
	s14 =	simm.s32 $0x11100;
	[dreg:$0x1f] =	wrdreg s23  }
0x19: {  	s15 =	simm.s32 $0x11900;
	s16 =	simm.s32 $0x12100;
	[smem:$0x7FB] =	sst s24  }
0x1a: {  	s1 =	sadd.s32 s7, s1;
	s7 =	simm.s32 $0x5900;
	[smem:$0x7FC] =	sst s25  }
0x1b: {  	[smem:$0x7FD] =	sst s26;
	s21 =	simm.s32 $0x14900;
	s22 =	simm.s32 $0x15100  }
0x1c: {  	s23 =	simm.s32 $0x15900;
	s24 =	simm.s32 $0x16100;
	s25 =	simm.s32 $0x16900  }
0x1d: {  	s26 =	simm.s32 $0x17100;
	s1 =	sadd.s32 $0x1E00, s1;
	[dreg:$0x11] =	wrdreg s7  }
0x1e: {  	s17 =	sshrl.u32 s8, $0x3;
	s18 =	sadd.s32 s4, s6;
	[dreg:$0x4] =	wrdreg s1  }
0x1f: {  	s6 =	simm.s32 $0x5100;
	s8 =	simm.s32 $0x6100;
	[dreg:$0x5] =	wrdreg s18  }
0x20: {  	s7 =	simm.s32 $0x5;
	s4 =	sadd.s32 s4, s17;
	[dreg:$0x10] =	wrdreg s6  }
0x21: {  	[dreg:$0x12] =	wrdreg s8;
	s17 =	ssub.s32 $0x2, s5;
	s18 =	simm.s32 $0xA900  }
0x22: {  	s8 =	simm.s32 $0x100;
	s19 =	sadd.s32 $0x1800, s4;
	[dreg:$0x1b] =	wrdreg s18  }
0x23: {  	s1 =	simm.s32 $0x3;
	s4 =	simm.s32 $0x4900;
	[dreg:$0x6] =	wrdreg s19  }
0x24: {  	s5 =	sshrl.u32 s17, $0x1;
	s18 =	simm.s32 $0x13100;
	[dreg:$0xf] =	wrdreg s4  }
0x25: {  	v2 =	vlaneseq.u32;
	s19 =	simm.s32 $0xB100;
	s20 =	ssub.s32 s17, s5;
	s4 =	sadd.s32 $0x100, s2  }
0x26: {  	vm0 =	vmmov $0xffff;
	v1 =	vshrl.u32 v2, $0x3;
	s5 =	sadd.s32 $0x200, s2;
	s17 =	simm.s32 $0x12900;
	[dreg:$0x1c] =	wrdreg s19  }
0x27: {  	v0 =	vand.u32 $0x7, v2;
	v2 =	vor.u32 $0x8, v2;
	v1 =	vmul.u32 $0x8, v1;
	s6 =	smax.u32 s20, $0x1;
	s19 =	simm.s32 $0x13900;
	s20 =	simm.s32 $0x14100  }
.LBB2_1:
0x28: {  	s0 =	rddreg [dreg:$0x4]  }
0x29: {  	[tilespmem:s3], [sflag:$0x5] =	stream.linear.gather [hbm4b:s0+s3], $0x100, $0x38;
	[tilespmem:$0x18100] =	vst v63  }
0x2a: {  	_ =	swait.ge [sflag:s7], $0x100  }
0x2b: {  	[sflag:s7] =	ssyncset.done $0x0  }
0x2c: {  	[sflag:s7] =	ssyncadd.s32 $0xFFFFFF00  }
0x2d: {  	v3 =	vld [tilespmem:$0x0];
	_ =	sdelay $0x4  }
0x2e: {  	v4 =	vshrl.u32 v3, $0x3  }
0x2f: {  	v4 =	vmul.u32 $0x30, v4  }
0x30: {  	v3 =	vand.u32 $0x7, v3  }
0x31: {  	v3 =	vor.u32 v3, v4  }
0x32: {  	v4 =	vperm.xlane v3, v0;
	_ =	sdelay $0x1  }
0x33: {  	v4 =	vadd.s32 v1, v4;
	_ =	sdelay $0x3  }
0x34: {  	v3 =	vperm.xlane v3, v2  }
0x35: {  	[tilespmem:s8], [sflag:$0x1] =	stream.indirect_vreg.gather [hbm4b:s2+s3], $0x80, v4, vm0, $0xb8;
	[tilespmem:$0x18100] =	vst v63  }
0x36: {  	s0 =	rddreg [dreg:$0x7];
	v3 =	vadd.s32 v1, v3  }
0x37: {  	[tilespmem:s0], [sflag:$0x1] =	stream.indirect_vreg.gather [hbm4b:s4+s3], $0x80, v4, vm0, $0xb8;
	[tilespmem:$0x18100] =	vst v63  }
0x38: {  	s10 =	rddreg [dreg:$0x8]  }
0x39: {  	[tilespmem:s10], [sflag:$0x1] =	stream.indirect_vreg.gather [hbm4b:s5+s3], $0x80, v4, vm0, $0xb8;
	[tilespmem:$0x18100] =	vst v63  }
0x3a: {  	s0 =	rddreg [dreg:$0x9]  }
0x3b: {  	[tilespmem:s0], [sflag:$0x1] =	stream.indirect_vreg.gather [hbm4b:s2+s3], $0x80, v3, vm0, $0xb8;
	[tilespmem:$0x18100] =	vst v63  }
0x3c: {  	s10 =	rddreg [dreg:$0xa]  }
0x3d: {  	[tilespmem:s10], [sflag:$0x1] =	stream.indirect_vreg.gather [hbm4b:s4+s3], $0x80, v3, vm0, $0xb8;
	[tilespmem:$0x18100] =	vst v63  }
0x3e: {  	s0 =	rddreg [dreg:$0xb]  }
0x3f: {  	[tilespmem:s0], [sflag:$0x1] =	stream.indirect_vreg.gather [hbm4b:s5+s3], $0x80, v3, vm0, $0xb8;
	[tilespmem:$0x18100] =	vst v63  }
0x40: {  	v3 =	vld [tilespmem:$0x10];
	_ =	sdelay $0x4  }
0x41: {  	v57 =	vshrl.u32 v3, $0x3  }
0x42: {  	v4 =	vmul.u32 $0x30, v57  }
0x43: {  	v3 =	vand.u32 $0x7, v3  }
0x44: {  	v3 =	vor.u32 v3, v4  }
0x45: {  	v4 =	vperm.xlane v3, v0;
	_ =	sdelay $0x1  }
0x46: {  	v4 =	vadd.s32 v1, v4;
	_ =	sdelay $0x3  }
0x47: {  	s0 =	rddreg [dreg:$0xc];
	v3 =	vperm.xlane v3, v2  }
0x48: {  	[tilespmem:s0], [sflag:$0x1] =	stream.indirect_vreg.gather [hbm4b:s2+s3], $0x80, v4, vm0, $0xb8;
	[tilespmem:$0x18100] =	vst v63  }
0x49: {  	s10 =	rddreg [dreg:$0xd];
	v3 =	vadd.s32 v1, v3  }
0x4a: {  	[tilespmem:s10], [sflag:$0x1] =	stream.indirect_vreg.gather [hbm4b:s4+s3], $0x80, v4, vm0, $0xb8;
	[tilespmem:$0x18100] =	vst v63  }
0x4b: {  	s0 =	rddreg [dreg:$0xe]  }
0x4c: {  	[tilespmem:s0], [sflag:$0x1] =	stream.indirect_vreg.gather [hbm4b:s5+s3], $0x80, v4, vm0, $0xb8;
	[tilespmem:$0x18100] =	vst v63  }
0x4d: {  	s10 =	rddreg [dreg:$0xf]  }
0x4e: {  	[tilespmem:s10], [sflag:$0x1] =	stream.indirect_vreg.gather [hbm4b:s2+s3], $0x80, v3, vm0, $0xb8;
	[tilespmem:$0x18100] =	vst v63  }
0x4f: {  	s0 =	rddreg [dreg:$0x10]  }
0x50: {  	[tilespmem:s0], [sflag:$0x1] =	stream.indirect_vreg.gather [hbm4b:s4+s3], $0x80, v3, vm0, $0xb8;
	[tilespmem:$0x18100] =	vst v63  }
0x51: {  	s10 =	rddreg [dreg:$0x11]  }
0x52: {  	[tilespmem:s10], [sflag:$0x1] =	stream.indirect_vreg.gather [hbm4b:s5+s3], $0x80, v3, vm0, $0xb8;
	[tilespmem:$0x18100] =	vst v63  }
0x53: {  	v3 =	vld [tilespmem:$0x20];
	_ =	sdelay $0x4  }
0x54: {  	v58 =	vshrl.u32 v3, $0x3  }
0x55: {  	v4 =	vmul.u32 $0x30, v58  }
0x56: {  	v3 =	vand.u32 $0x7, v3  }
0x57: {  	v3 =	vor.u32 v3, v4  }
0x58: {  	v4 =	vperm.xlane v3, v0;
	_ =	sdelay $0x1  }
0x59: {  	v4 =	vadd.s32 v1, v4;
	_ =	sdelay $0x3  }
0x5a: {  	s0 =	rddreg [dreg:$0x12];
	v3 =	vperm.xlane v3, v2  }
0x5b: {  	[tilespmem:s0], [sflag:$0x1] =	stream.indirect_vreg.gather [hbm4b:s2+s3], $0x80, v4, vm0, $0xb8;
	[tilespmem:$0x18100] =	vst v63  }
0x5c: {  	s10 =	rddreg [dreg:$0x13];
	v3 =	vadd.s32 v1, v3  }
0x5d: {  	[tilespmem:s10], [sflag:$0x1] =	stream.indirect_vreg.gather [hbm4b:s4+s3], $0x80, v4, vm0, $0xb8;
	[tilespmem:$0x18100] =	vst v63  }
0x5e: {  	s0 =	rddreg [dreg:$0x14]  }
0x5f: {  	[tilespmem:s0], [sflag:$0x1] =	stream.indirect_vreg.gather [hbm4b:s5+s3], $0x80, v4, vm0, $0xb8;
	[tilespmem:$0x18100] =	vst v63  }
0x60: {  	s10 =	rddreg [dreg:$0x15]  }
0x61: {  	[tilespmem:s10], [sflag:$0x1] =	stream.indirect_vreg.gather [hbm4b:s2+s3], $0x80, v3, vm0, $0xb8;
	[tilespmem:$0x18100] =	vst v63  }
0x62: {  	s0 =	rddreg [dreg:$0x16]  }
0x63: {  	[tilespmem:s0], [sflag:$0x1] =	stream.indirect_vreg.gather [hbm4b:s4+s3], $0x80, v3, vm0, $0xb8;
	[tilespmem:$0x18100] =	vst v63  }
0x64: {  	s10 =	rddreg [dreg:$0x17]  }
0x65: {  	[tilespmem:s10], [sflag:$0x1] =	stream.indirect_vreg.gather [hbm4b:s5+s3], $0x80, v3, vm0, $0xb8;
	[tilespmem:$0x18100] =	vst v63  }
0x66: {  	v3 =	vld [tilespmem:$0x30];
	_ =	sdelay $0x4  }
0x67: {  	v59 =	vshrl.u32 v3, $0x3  }
0x68: {  	v4 =	vmul.u32 $0x30, v59  }
0x69: {  	v3 =	vand.u32 $0x7, v3  }
0x6a: {  	v3 =	vor.u32 v3, v4  }
0x6b: {  	v4 =	vperm.xlane v3, v0;
	_ =	sdelay $0x1  }
0x6c: {  	v4 =	vadd.s32 v1, v4;
	_ =	sdelay $0x3  }
0x6d: {  	s0 =	rddreg [dreg:$0x18];
	v3 =	vperm.xlane v3, v2  }
0x6e: {  	[tilespmem:s0], [sflag:$0x1] =	stream.indirect_vreg.gather [hbm4b:s2+s3], $0x80, v4, vm0, $0xb8;
	[tilespmem:$0x18100] =	vst v63  }
0x6f: {  	s10 =	rddreg [dreg:$0x19];
	v3 =	vadd.s32 v1, v3  }
0x70: {  	[tilespmem:s10], [sflag:$0x1] =	stream.indirect_vreg.gather [hbm4b:s4+s3], $0x80, v4, vm0, $0xb8;
	[tilespmem:$0x18100] =	vst v63  }
0x71: {  	s0 =	rddreg [dreg:$0x1a]  }
0x72: {  	[tilespmem:s0], [sflag:$0x1] =	stream.indirect_vreg.gather [hbm4b:s5+s3], $0x80, v4, vm0, $0xb8;
	[tilespmem:$0x18100] =	vst v63  }
0x73: {  	s10 =	rddreg [dreg:$0x1b]  }
0x74: {  	[tilespmem:s10], [sflag:$0x1] =	stream.indirect_vreg.gather [hbm4b:s2+s3], $0x80, v3, vm0, $0xb8;
	[tilespmem:$0x18100] =	vst v63  }
0x75: {  	s0 =	rddreg [dreg:$0x1c]  }
0x76: {  	[tilespmem:s0], [sflag:$0x1] =	stream.indirect_vreg.gather [hbm4b:s4+s3], $0x80, v3, vm0, $0xb8;
	[tilespmem:$0x18100] =	vst v63  }
0x77: {  	s10 =	rddreg [dreg:$0x1d]  }
0x78: {  	[tilespmem:s10], [sflag:$0x1] =	stream.indirect_vreg.gather [hbm4b:s5+s3], $0x80, v3, vm0, $0xb8;
	[tilespmem:$0x18100] =	vst v63  }
0x79: {  	v3 =	vld [tilespmem:$0x80];
	_ =	sdelay $0x4  }
0x7a: {  	v60 =	vshrl.u32 v3, $0x3  }
0x7b: {  	v4 =	vmul.u32 $0x30, v60  }
0x7c: {  	v3 =	vand.u32 $0x7, v3  }
0x7d: {  	v3 =	vor.u32 v3, v4  }
0x7e: {  	v4 =	vperm.xlane v3, v0;
	_ =	sdelay $0x1  }
0x7f: {  	v4 =	vadd.s32 v1, v4;
	_ =	sdelay $0x3  }
0x80: {  	s0 =	rddreg [dreg:$0x1e];
	v3 =	vperm.xlane v3, v2  }
0x81: {  	[tilespmem:s9], [sflag:$0x2] =	stream.indirect_vreg.gather [hbm4b:s2+s3], $0x80, v4, vm0, $0xb8;
	[tilespmem:$0x18100] =	vst v63  }
0x82: {  	s10 =	rddreg [dreg:$0x1f];
	v3 =	vadd.s32 v1, v3  }
0x83: {  	[tilespmem:s0], [sflag:$0x2] =	stream.indirect_vreg.gather [hbm4b:s4+s3], $0x80, v4, vm0, $0xb8;
	[tilespmem:$0x18100] =	vst v63  }
0x84: {  	s0 =	sld [smem:$0x7FB]  }
0x85: {  	[tilespmem:s10], [sflag:$0x2] =	stream.indirect_vreg.gather [hbm4b:s5+s3], $0x80, v4, vm0, $0xb8;
	[tilespmem:$0x18100] =	vst v63  }
0x86: {  	s10 =	sld [smem:$0x7FC]  }
0x87: {  	[tilespmem:s0], [sflag:$0x2] =	stream.indirect_vreg.gather [hbm4b:s2+s3], $0x80, v3, vm0, $0xb8;
	[tilespmem:$0x18100] =	vst v63  }
0x88: {  	s0 =	sld [smem:$0x7FD]  }
0x89: {  	[tilespmem:s10], [sflag:$0x2] =	stream.indirect_vreg.gather [hbm4b:s4+s3], $0x80, v3, vm0, $0xb8;
	[tilespmem:$0x18100] =	vst v63  }
0x8a: {  	_ = 	snop  }
0x8b: {  	[tilespmem:s0], [sflag:$0x2] =	stream.indirect_vreg.gather [hbm4b:s5+s3], $0x80, v3, vm0, $0xb8;
	[tilespmem:$0x18100] =	vst v63  }
0x8c: {  	v3 =	vld [tilespmem:$0x90];
	_ =	sdelay $0x4  }
0x8d: {  	v61 =	vshrl.u32 v3, $0x3  }
0x8e: {  	v4 =	vmul.u32 $0x30, v61  }
0x8f: {  	v3 =	vand.u32 $0x7, v3  }
0x90: {  	v3 =	vor.u32 v3, v4  }
0x91: {  	v4 =	vperm.xlane v3, v0;
	_ =	sdelay $0x1  }
0x92: {  	v4 =	vadd.s32 v1, v4;
	_ =	sdelay $0x3  }
0x93: {  	s10 =	simm.s32 $0xF100;
	v3 =	vperm.xlane v3, v2  }
0x94: {  	[tilespmem:s10], [sflag:$0x2] =	stream.indirect_vreg.gather [hbm4b:s2+s3], $0x80, v4, vm0, $0xb8;
	[tilespmem:$0x18100] =	vst v63  }
0x95: {  	v3 =	vadd.s32 v1, v3  }
0x96: {  	[tilespmem:s11], [sflag:$0x2] =	stream.indirect_vreg.gather [hbm4b:s4+s3], $0x80, v4, vm0, $0xb8;
	[tilespmem:$0x18100] =	vst v63  }
0x97: {  	_ = 	snop  }
0x98: {  	[tilespmem:s12], [sflag:$0x2] =	stream.indirect_vreg.gather [hbm4b:s5+s3], $0x80, v4, vm0, $0xb8;
	[tilespmem:$0x18100] =	vst v63  }
0x99: {  	_ = 	snop  }
0x9a: {  	[tilespmem:s13], [sflag:$0x2] =	stream.indirect_vreg.gather [hbm4b:s2+s3], $0x80, v3, vm0, $0xb8;
	[tilespmem:$0x18100] =	vst v63  }
0x9b: {  	_ = 	snop  }
0x9c: {  	[tilespmem:s14], [sflag:$0x2] =	stream.indirect_vreg.gather [hbm4b:s4+s3], $0x80, v3, vm0, $0xb8;
	[tilespmem:$0x18100] =	vst v63  }
0x9d: {  	_ = 	snop  }
0x9e: {  	[tilespmem:s15], [sflag:$0x2] =	stream.indirect_vreg.gather [hbm4b:s5+s3], $0x80, v3, vm0, $0xb8;
	[tilespmem:$0x18100] =	vst v63  }
0x9f: {  	v3 =	vld [tilespmem:$0xA0];
	_ =	sdelay $0x4  }
0xa0: {  	v62 =	vshrl.u32 v3, $0x3  }
0xa1: {  	v4 =	vmul.u32 $0x30, v62  }
0xa2: {  	v3 =	vand.u32 $0x7, v3  }
0xa3: {  	v3 =	vor.u32 v3, v4  }
0xa4: {  	v4 =	vperm.xlane v3, v0;
	_ =	sdelay $0x1  }
0xa5: {  	v4 =	vadd.s32 v1, v4;
	_ =	sdelay $0x3  }
0xa6: {  	v3 =	vperm.xlane v3, v2  }
0xa7: {  	[tilespmem:s16], [sflag:$0x2] =	stream.indirect_vreg.gather [hbm4b:s2+s3], $0x80, v4, vm0, $0xb8;
	[tilespmem:$0x18100] =	vst v63  }
0xa8: {  	v3 =	vadd.s32 v1, v3  }
0xa9: {  	[tilespmem:s17], [sflag:$0x2] =	stream.indirect_vreg.gather [hbm4b:s4+s3], $0x80, v4, vm0, $0xb8;
	[tilespmem:$0x18100] =	vst v63  }
0xaa: {  	_ = 	snop  }
0xab: {  	[tilespmem:s18], [sflag:$0x2] =	stream.indirect_vreg.gather [hbm4b:s5+s3], $0x80, v4, vm0, $0xb8;
	[tilespmem:$0x18100] =	vst v63  }
0xac: {  	_ = 	snop  }
0xad: {  	[tilespmem:s19], [sflag:$0x2] =	stream.indirect_vreg.gather [hbm4b:s2+s3], $0x80, v3, vm0, $0xb8;
	[tilespmem:$0x18100] =	vst v63  }
0xae: {  	_ = 	snop  }
0xaf: {  	[tilespmem:s20], [sflag:$0x2] =	stream.indirect_vreg.gather [hbm4b:s4+s3], $0x80, v3, vm0, $0xb8;
	[tilespmem:$0x18100] =	vst v63  }
0xb0: {  	_ = 	snop  }
0xb1: {  	[tilespmem:s21], [sflag:$0x2] =	stream.indirect_vreg.gather [hbm4b:s5+s3], $0x80, v3, vm0, $0xb8;
	[tilespmem:$0x18100] =	vst v63  }
0xb2: {  	v3 =	vld [tilespmem:$0xB0];
	_ =	sdelay $0x4  }
0xb3: {  	v63 =	vshrl.u32 v3, $0x3  }
0xb4: {  	v4 =	vmul.u32 $0x30, v63  }
0xb5: {  	v3 =	vand.u32 $0x7, v3  }
0xb6: {  	v3 =	vor.u32 v3, v4  }
0xb7: {  	v4 =	vperm.xlane v3, v0;
	_ =	sdelay $0x1  }
0xb8: {  	v4 =	vadd.s32 v1, v4;
	_ =	sdelay $0x3  }
0xb9: {  	v3 =	vperm.xlane v3, v2  }
0xba: {  	[tilespmem:s22], [sflag:$0x2] =	stream.indirect_vreg.gather [hbm4b:s2+s3], $0x80, v4, vm0, $0xb8;
	[tilespmem:$0x18100] =	vst v63  }
0xbb: {  	v3 =	vadd.s32 v1, v3  }
0xbc: {  	[tilespmem:s23], [sflag:$0x2] =	stream.indirect_vreg.gather [hbm4b:s4+s3], $0x80, v4, vm0, $0xb8;
	[tilespmem:$0x18100] =	vst v63  }
0xbd: {  	_ = 	snop  }
0xbe: {  	[tilespmem:s24], [sflag:$0x2] =	stream.indirect_vreg.gather [hbm4b:s5+s3], $0x80, v4, vm0, $0xb8;
	[tilespmem:$0x18100] =	vst v63  }
0xbf: {  	_ = 	snop  }
0xc0: {  	[tilespmem:s25], [sflag:$0x2] =	stream.indirect_vreg.gather [hbm4b:s2+s3], $0x80, v3, vm0, $0xb8;
	[tilespmem:$0x18100] =	vst v63  }
0xc1: {  	_ = 	snop  }
0xc2: {  	[tilespmem:s26], [sflag:$0x2] =	stream.indirect_vreg.gather [hbm4b:s4+s3], $0x80, v3, vm0, $0xb8;
	[tilespmem:$0x18100] =	vst v63  }
0xc3: {  	_ = 	snop  }
0xc4: {  	[tilespmem:s28], [sflag:$0x2] =	stream.indirect_vreg.gather [hbm4b:s5+s3], $0x80, v3, vm0, $0xb8;
	[tilespmem:$0x18100] =	vst v63  }
0xc5: {  	_ =	swait.ge [sflag:s29], $0xC000  }
0xc6: {  	[sflag:s29] =	ssyncset.done $0x0  }
0xc7: {  	s10 =	rddreg [dreg:$0x5];
	[sflag:s29] =	ssyncadd.s32 $0xFFFF4000  }
0xc8: {  	[hbm4b:s10+s3] =	stream.linear.scatter [tilespmem:s8], [sflag:$0x3], $0xC000, $0x38;
	[tilespmem:$0x18100] =	vst v63  }
0xc9: {  	_ =	swait.ge [sflag:s30], $0xC000  }
0xca: {  	[sflag:s30] =	ssyncset.done $0x0  }
0xcb: {  	s10 =	rddreg [dreg:$0x6];
	[sflag:s30] =	ssyncadd.s32 $0xFFFF4000  }
0xcc: {  	[hbm4b:s10+s3] =	stream.linear.scatter [tilespmem:s9], [sflag:$0x4], $0xC000, $0x38;
	[tilespmem:$0x18100] =	vst v63  }
0xcd: {  	p0 =	sne.s32 s6, $0x1;
	_ =	swait.ge [sflag:s31], $0xC000  }
.Ltmp0:
0xce: {  	[sflag:s31] =	ssyncset.done $0x0;
	(pc) =	sbr.rel @p0 .LBB2_1-.Ltmp0, $4  }
0xcf: {  	[sflag:s31] =	ssyncadd.s32 $0xFFFF4000  }
0xd0: {  	_ =	swait.ge [sflag:s1], $0xC000  }
0xd1: {  	[sflag:s1] =	ssyncset.done $0x0  }
0xd2: {  	s6 =	sadd.s32 $0xFFFFFFFF, s6;
	[sflag:s1] =	ssyncadd.s32 $0xFFFF4000  }
0xd3: {  	_ =	sfence.sel $0x180000  }
0xd4: {  	[bflag:$0x0] =	sbarrier.arrive $0xFFFF  }
0xd5: {  	_ =	strace $0x90000047  }
0xd6: {  	s0 =	stileid.u32;
	[bflag:$0x2] =	sbarrier.arrive $0xFFFF  }
0xd7: {  	p0 =	sne.s32 s0, $0x0;
	s0 =	rddreg [dreg:$0x3]  }
0xd8: {  	s0 =	sadd.s32 @!p0 $0x100000, s0  }
0xd9: {  	[sflag:s0] =	ssyncadd.tile.s32 @!p0 $0x1;
	_ =	shalt  }
.Lfunc_end2:
_tile_overlayer_lowered:
.L_overlay_start_2:
0xda: {  	(tag) =	ssettag $0x2  }
0xdb: {  	s0 =	rddreg [dreg:$0x0];
	s2 =	stileid.u32  }
0xdc: {  	s1 =	rddreg [dreg:$0x1];
	p0 =	sne.s32 s2, $0x0  }
0xdd: {  	s3 =	rddreg [dreg:$0x2];
	[bflag:$0x3] =	sbarrier.arrive $0xFFFF;
	s2 =	simm.s32 @!p0 $0x1C05  }
0xde: {  	[timem:s3], [sflag:s2] =	dma.local @!p0 [hbm:s0], s1  }
0xdf: {  	s0 =	simm.s32 @!p0 $0x5  }
0xe0: {  	_ =	swait.ge @!p0 [sflag:s0], s1  }
0xe1: {  	s1 =	ssub.s32 @!p0 $0x0, s1;
	[sflag:s0] =	ssyncset.done @!p0 $0x0  }
0xe2: {  	[sflag:s0] =	ssyncadd.s32 @!p0 s1  }
0xe3: {  	[bflag:$0x3] =	sbarrier.arrive $0xFFFF  }
0xe4: {  	_ =	shalt  }

// kernel: kernel.9.cloned.1.call-start
scs
__scs_entry_jumppad:
0x0: {  	(pc) =	sbr.rel $0x88, $3  }
0x1: {  	(tag) =	ssettag $0x0;
	lr =	simm.s32 $0x1  }
0x2: {  	[smem:$0x3F98] =	sst lr;
	_ =	strace $0xD0000000  }
0x3: {  	_ = 	snop  }
0x4: {  	_ = 	snop  }
0x5: {  	_ = 	snop  }
0x6: {  	_ = 	snop  }
0x7: {  	_ = 	snop  }
__scs_overlays_trampoline_lowered:
0x8: {  	[smem:$0x3FA7] =	sst s0  }
0x9: {  	[smem:$0x3FA8] =	sst s1  }
0xa: {  	[smem:$0x3FA9] =	sst s2  }
0xb: {  	[smem:$0x3FAA] =	sst s3  }
0xc: {  	[smem:$0x3FAB] =	sst s4  }
0xd: {  	[smem:$0x3FAC] =	sst s5  }
0xe: {  	[smem:$0x3FAD] =	sst s6  }
0xf: {  	[smem:$0x3FAE] =	sst s7  }
0x10: {  	[smem:$0x3FAF] =	sst s8  }
0x11: {  	[smem:$0x3FB0] =	sst s9;
	s0 =	simm.s32 @!p0 $0x0  }
0x12: {  	s1 =	sld [smem:$0x3F96];
	s0 =	simm.s32 @p0 $0x1  }
0x13: {  	[smem:$0x3FB1] =	sst s0;
	s0 =	simm.s32 @!p1 $0x0  }
0x14: {  	s2 =	sld [smem:$0x3F95];
	s0 =	simm.s32 @p1 $0x1  }
0x15: {  	[smem:$0x3FB2] =	sst s0;
	s0 =	simm.s32 @!p2 $0x0  }
0x16: {  	s3 =	sld [smem:$0x3FDB];
	s0 =	simm.s32 @p2 $0x1  }
0x17: {  	s4 =	simm.s32 $0x1BF5;
	[smem:$0x3FB4] =	sst s0  }
0x18: {  	s0 =	sld [smem:$0x3F97];
	_ =	swait.ge [sflag:s4], $0x0  }
0x19: {  	s7 =	sld [smem:$0x3F98]  }
0x1a: {  	s8 =	sadd.s32 $0xFFFFE003, lr  }
0x1b: {  	s9 =	sadd.s32 $0xFFFFFEF7, lr;
	s5 =	simm.s32 $0xFFFFFFFF;
	p2 =	slt.u32 s8, $0xFFFFF086  }
0x1c: {  	p1 =	slt.u32 s9, $0xF7A;
	s5 =	simm.s32 @!p2 $0x0  }
0x1d: {  	s5 =	simm.s32 @p1 $0x1;
	p0 =	seq.s32 s7, s2  }
0x1e: {  	s7 =	smul.u32 @!p0 $0xF7A, s2;
	p2 =	seq.s32 @!p0 s5, $0x0  }
0x1f: {  	s9 =	smul.u32 $0xF7A, s1;
	s8 =	simm.s32 @!p0 $0x1BF5;
	p2 =	por !p2, p0  }
0x20: {  	[sflag:s8] =	ssyncset.s32 @!p0 $0xFFFFF086;
	s6 =	sadd.s32 @!p0 s3, s7;
	s7 =	simm.s32 @!p0 $0x108  }
0x21: {  	s3 =	sadd.s32 s3, s9;
	s6 =	sadd.s32 @!p0 $0x88, s6;
	s7 =	simm.s32 @p2 $0x1082  }
0x22: {  	[simem:s7], [sflag:s8] =	dma.local @!p0 [hbm:s6], $0xF7A  }
0x23: {  	s9 =	sor.u32 $0xD0000000, s2;
	s6 =	simm.s32 $0x108;
	_ =	swait.ge @!p0 [sflag:s8], $0x0  }
0x24: {  	s3 =	sadd.s32 $0x88, s3;
	s6 =	simm.s32 @!p1 $0x1082;
	[sflag:s4] =	ssyncset.s32 $0xFFFFF086  }
0x25: {  	[simem:s6], [sflag:s4] =	dma.local [hbm:s3], $0xF7A  }
0x26: {  	[smem:$0x3F98] =	sst s1;
	(tag) =	ssettag s2;
	_ =	strace s9  }
0x27: {  	s1 =	sld [smem:$0x3FA8]  }
0x28: {  	s2 =	sld [smem:$0x3FA9]  }
0x29: {  	s4 =	sld [smem:$0x3FAB]  }
0x2a: {  	p0 =	seq.s32 s5, $0x0;
	s5 =	sld [smem:$0x3FAC]  }
0x2b: {  	s6 =	sld [smem:$0x3FAD]  }
0x2c: {  	s7 =	sld [smem:$0x3FAE]  }
0x2d: {  	s3 =	simm.s32 $0x108;
	s8 =	sld [smem:$0x3FAF]  }
0x2e: {  	s3 =	simm.s32 @!p0 $0x1082;
	s9 =	sld [smem:$0x3FB0]  }
0x2f: {  	lr =	sadd.s32 s0, s3;
	s0 =	sld [smem:$0x3FA7]  }
0x30: {  	s3 =	sld [smem:$0x3FAA]  }
0x31: {  	[smem:$0x3FB3] =	sst s10  }
0x32: {  	s10 =	sld [smem:$0x3FB1];
	_ =	sdelay $0x3  }
0x33: {  	p0 =	seq.s32 s10, $0x1;
	s10 =	sld [smem:$0x3FB3];
	_ =	sdelay $0x3  }
0x34: {  	[smem:$0x3FB3] =	sst s10  }
0x35: {  	s10 =	sld [smem:$0x3FB2];
	_ =	sdelay $0x3  }
0x36: {  	p1 =	seq.s32 s10, $0x1;
	s10 =	sld [smem:$0x3FB3];
	_ =	sdelay $0x3  }
0x37: {  	[smem:$0x3FB3] =	sst s10  }
0x38: {  	s10 =	sld [smem:$0x3FB4]  }
0x39: {  	_ = 	snop;
	(pc) =	sbr.ind lr, $3  }
0x3a: {  	_ = 	snop  }
0x3b: {  	_ = 	snop  }
0x3c: {  	p2 =	seq.s32 s10, $0x1;
	s10 =	sld [smem:$0x3FB3]  }
0x3d: {  	_ =	shalt  }
0x3e: {  	_ =	shalt  }
0x3f: {  	_ =	shalt  }
0x40: {  	_ =	shalt  }
0x41: {  	_ =	shalt  }
0x42: {  	_ =	shalt  }
0x43: {  	_ =	shalt  }
0x44: {  	_ =	shalt  }
0x45: {  	_ =	shalt  }
0x46: {  	_ =	shalt  }
0x47: {  	_ =	shalt  }
0x48: {  	_ =	shalt  }
0x49: {  	_ =	shalt  }
0x4a: {  	_ =	shalt  }
0x4b: {  	_ =	shalt  }
0x4c: {  	_ =	shalt  }
0x4d: {  	_ =	shalt  }
0x4e: {  	_ =	shalt  }
0x4f: {  	_ =	shalt  }
0x50: {  	_ =	shalt  }
0x51: {  	_ =	shalt  }
0x52: {  	_ =	shalt  }
0x53: {  	_ =	shalt  }
0x54: {  	_ =	shalt  }
0x55: {  	_ =	shalt  }
0x56: {  	_ =	shalt  }
0x57: {  	_ =	shalt  }
0x58: {  	_ =	shalt  }
0x59: {  	_ =	shalt  }
0x5a: {  	_ =	shalt  }
0x5b: {  	_ =	shalt  }
0x5c: {  	_ =	shalt  }
0x5d: {  	_ =	shalt  }
0x5e: {  	_ =	shalt  }
0x5f: {  	_ =	shalt  }
0x60: {  	_ =	shalt  }
0x61: {  	_ =	shalt  }
0x62: {  	_ =	shalt  }
0x63: {  	_ =	shalt  }
0x64: {  	_ =	shalt  }
0x65: {  	_ =	shalt  }
0x66: {  	_ =	shalt  }
0x67: {  	_ =	shalt  }
0x68: {  	_ =	shalt  }
0x69: {  	_ =	shalt  }
0x6a: {  	_ =	shalt  }
0x6b: {  	_ =	shalt  }
0x6c: {  	_ =	shalt  }
0x6d: {  	_ =	shalt  }
0x6e: {  	_ =	shalt  }
0x6f: {  	_ =	shalt  }
0x70: {  	_ =	shalt  }
0x71: {  	_ =	shalt  }
0x72: {  	_ =	shalt  }
0x73: {  	_ =	shalt  }
0x74: {  	_ =	shalt  }
0x75: {  	_ =	shalt  }
0x76: {  	_ =	shalt  }
0x77: {  	_ =	shalt  }
0x78: {  	_ =	shalt  }
0x79: {  	_ =	shalt  }
0x7a: {  	_ =	shalt  }
0x7b: {  	_ =	shalt  }
0x7c: {  	_ =	shalt  }
0x7d: {  	_ =	shalt  }
0x7e: {  	_ =	shalt  }
0x7f: {  	_ =	shalt  }
0x80: {  	_ =	shalt  }
0x81: {  	_ =	shalt  }
0x82: {  	_ =	shalt  }
0x83: {  	_ =	shalt  }
0x84: {  	_ =	shalt  }
0x85: {  	_ =	shalt  }
0x86: {  	_ =	shalt  }
0x87: {  	_ =	shalt  }
.Lfunc_end0:
.L_simem_size_0:
called_computation.1_lowered:
.L_overlay_start_0:
0x88: {  	s2 =	sld [smem:$0x3FD9]  }
0x89: {  	s3 =	sld [smem:$0x3FFE];
	_ =	sdelay $0x1  }
0x8a: {  	s1 =	srdreg.scid  }
0x8b: {  	s0 =	sand.u32 $0x1, s1  }
0x8c: {  	s17 =	sshll.u32 s0, $0xA;
	s2 =	sadd.s32 s3, s2  }
0x8d: {  	s2 =	sadd.s32 s2, s17  }
0x8e: {  	[smem:$0x3FBF] =	sst s2  }
0x8f: {  	_ = 	snop  }
0x90: {  	s18 =	sld [smem:$0x3FC7];
	(tm) =	ssettm $0x1  }
0x91: {  	s19 =	sld [smem:$0x3FFB];
	_ =	sdelay $0x3  }
0x92: {  	_ =	strace s19  }
0x93: {  	s2 =	sld [smem:$0x3FFC];
	_ =	sdelay $0x3  }
0x94: {  	_ =	strace s2  }
0x95: {  	s2 =	sld [smem:$0x3FFD];
	_ =	sdelay $0x3  }
0x96: {  	_ =	strace s2  }
0x97: {  	_ =	strace $0x8FFFFFFF  }
0x98: {  	s20 =	sld [smem:$0x3FDB];
	_ =	sdelay $0x1  }
0x99: {  	s4 =	simm.s32 $_scs_section_size  }
0x9a: {  	s5 =	simm.s32 $_size__tile_overlayer_lowered;
	s6 =	simm.s32 $_tile_overlayer_lowered  }
0x9b: {  	s7 =	simm.s32 $0x1BFF;
	s21 =	sshll.u32 s6, $0x1;
	s4 =	sadd.s32 s4, s20  }
0x9c: {  	s22 =	simm.s32 $0x0;
	s5 =	sshll.u32 s5, $0x1;
	s6 =	sadd.s32 s21, s4  }
0x9d: {  	[timem:s22], [sflag:s7] =	dma.local [hbm:s6], s5  }
0x9e: {  	_ =	swait.ge [sflag:s7], s5  }
0x9f: {  	s5 =	ssub.s32 $0x0, s5;
	[sflag:s7] =	ssyncset.done $0x0  }
0xa0: {  	[sflag:s7] =	ssyncadd.s32 s5;
	_ =	sdelay $0x1  }
0xa1: {  	s23 =	simm.s32 $0x1B8B  }
0xa2: {  	_ =	swait.ge [sflag:s23], $0x1  }
0xa3: {  	[sflag:s23] =	ssyncset.done $0x0  }
0xa4: {  	[sflag:s23] =	ssyncadd.s32 $0xFFFFFFFF  }
0xa5: {  	s5 =	sld [smem:$0x0]  }
0xa6: {  	s6 =	sand.u32 $0xFFFFFFFE, s1  }
0xa7: {  	p0 =	sne.s32 s1, s6  }
0xa8: {  	s6 =	sshll.u32 @p0 s6, $0xE  }
0xa9: {  	s6 =	sadd.s32 @p0 $0x11B8D, s6;
	s7 =	sshll.u32 @p0 s5, $0x11  }
0xaa: {  	s6 =	sor.u32 @p0 s7, s6  }
0xab: {  	[sflag:s6] =	ssyncadd.remote.s32 @p0 $0x1;
	_ =	sdelay $0x1  }
0xac: {  	s6 =	simm.s32 @p0 $0x1B8D  }
0xad: {  	_ =	swait.eq @p0 [sflag:s6], $0x1  }
0xae: {  	[sflag:s6] =	ssyncadd.s32 @p0 $0xFFFFFFFF  }
0xaf: {  	s7 =	sshll.u32 @!p0 s1, $0xE  }
0xb0: {  	s7 =	sor.u32 @!p0 $0x4000, s7;
	s6 =	simm.s32 @!p0 $0x1B8D  }
0xb1: {  	s5 =	sshll.u32 @!p0 s5, $0x11;
	s7 =	sadd.s32 @!p0 $0x11B8D, s7;
	_ =	swait.eq @!p0 [sflag:s6], $0x1  }
0xb2: {  	s5 =	sor.u32 @!p0 s5, s7;
	[sflag:s6] =	ssyncadd.s32 @!p0 $0xFFFFFFFF  }
0xb3: {  	s25 =	simm.s32 $0x1B8E;
	s24 =	sld [smem:$0x3FFE];
	[sflag:s5] =	ssyncadd.remote.s32 @!p0 $0x1  }
0xb4: {  	s26 =	simm.s32 $execute0_lowered;
	[smem:$0x3FD2] =	sst s25  }
0xb5: {  	s6 =	sshll.u32 s26, $0x1;
	_ =	strace $0x80000049;
	[dreg:$0x1] =	wrdreg $0xFFFFFFFF  }
0xb6: {  	s28 =	simm.s32 $_size_execute0_lowered;
	s4 =	sadd.s32 s4, s6;
	[dreg:$0x0] =	wrdreg $0x0  }
0xb7: {  	s6 =	sshll.u32 s28, $0x1;
	[dreg:$0x2] =	wrdreg s4  }
0xb8: {  	[dreg:$0x3] =	wrdreg s6  }
0xb9: {  	[dreg:$0x4] =	wrdreg $0xC0  }
0xba: {  	_ =	task [dreg:s22], $0x5FFFF  }
0xbb: {  	[dreg:$0x1] =	wrdreg $0xFFFFFFFF  }
0xbc: {  	[dreg:$0x0] =	wrdreg $0x60  }
0xbd: {  	[dreg:$0x2] =	wrdreg s24  }
0xbe: {  	[dreg:$0x3] =	wrdreg s18  }
0xbf: {  	[dreg:$0x4] =	wrdreg $0xA  }
0xc0: {  	_ =	task.clear_ibuf [dreg:s22], $0x5FFFF;
	_ =	strace $0x90000049  }
0xc1: {  	s29 =	simm.s32 $0xA;
	_ =	strace $0x8000004B  }
0xc2: {  	_ =	swait.ge [sflag:s29], $0x1  }
0xc3: {  	[sflag:s29] =	ssyncadd.s32 $0xFFFFFFFF  }
0xc4: {  	_ =	strace $0x9000004B  }
0xc5: {  	_ =	sfence  }
0xc6: {  	s30 =	sld [smem:$0x0];
	_ =	sdelay $0x2  }
0xc7: {  	s31 =	sshll.u32 s1, $0xD;
	s1 =	sshrl.u32 s1, $0x2  }
0xc8: {  	s4 =	sand.u32 $0x4000, s31;
	s1 =	sadd.s32 s1, s30  }
0xc9: {  	s0 =	sor.u32 s4, s0;
	s1 =	sshll.u32 s1, $0x11  }
0xca: {  	s0 =	sor.u32 s1, s0  }
0xcb: {  	s0 =	sadd.s32 $0x8F2B, s0  }
0xcc: {  	[sflag:s0] =	ssyncadd.remote.s32 $0x1  }
0xcd: {  	_ =	sfence.sel $0xFFFF  }
0xce: {  	[dreg:$0x0] =	wrdreg $0xFFFFFFFF;
	(pc) =	sbr.abs _section_cstart, $3  }
0xcf: {  	[dreg:$0x1] =	wrdreg $0xFFFFFFFF  }
0xd0: {  	_ =	task.clear_ibuf [dreg:s22], $0x2FFFF;
	_ =	strace $0x9FFFFFFF  }
0xd1: {  	(tm) =	ssettm $0x7FFFFFFF  }
tec
execute0_lowered:
.L_overlay_start_1:
0x0: {  	(tag) =	ssettag $0x1  }
0x1: {  	s1 =	rddreg [dreg:$0x0];
	s3 =	srdreg.scid  }
0x2: {  	s2 =	rddreg [dreg:$0x1];
	s4 =	sand.u32 $0x1, s3;
	s3 =	simm.s32 $0x0  }
0x3: {  	s20 =	simm.s32 $0x900;
	[smem:$0x7FF] =	sst s3  }
0x4: {  	s21 =	simm.s32 $0x1100;
	_ =	strace $0x8000004A;
	[dreg:$0x6] =	wrdreg s20  }
0x5: {  	s22 =	simm.s32 $0x1900;
	[dreg:$0x7] =	wrdreg s21  }
0x6: {  	s23 =	simm.s32 $0x2100;
	[dreg:$0x8] =	wrdreg s22  }
0x7: {  	s24 =	simm.s32 $0x2900;
	[dreg:$0x9] =	wrdreg s23  }
0x8: {  	s25 =	simm.s32 $0x3100;
	[dreg:$0xa] =	wrdreg s24  }
0x9: {  	s0 =	stileid.u32;
	s26 =	simm.s32 $0x3900;
	[dreg:$0xb] =	wrdreg s25  }
0xa: {  	s5 =	sshll.u32 s0, $0x1;
	s0 =	simm.s32 $0x4100;
	[dreg:$0xc] =	wrdreg s26  }
0xb: {  	s8 =	simm.s32 $0x6100;
	[dreg:$0xd] =	wrdreg s0  }
0xc: {  	s9 =	simm.s32 $0x6900;
	[dreg:$0x11] =	wrdreg s8  }
0xd: {  	s10 =	simm.s32 $0x7100;
	s11 =	simm.s32 $0x7900;
	[dreg:$0x12] =	wrdreg s9  }
0xe: {  	s12 =	simm.s32 $0x8100;
	s13 =	simm.s32 $0x8900;
	[dreg:$0x13] =	wrdreg s10  }
0xf: {  	s14 =	simm.s32 $0x9100;
	s15 =	simm.s32 $0x9900;
	[dreg:$0x14] =	wrdreg s11  }
0x10: {  	s16 =	simm.s32 $0xA100;
	s17 =	simm.s32 $0xA900;
	[dreg:$0x15] =	wrdreg s12  }
0x11: {  	s19 =	simm.s32 $0xB100;
	s28 =	simm.s32 $0x17900;
	[dreg:$0x16] =	wrdreg s13  }
0x12: {  	s29 =	simm.s32 $0x1;
	s30 =	simm.s32 $0x2;
	[dreg:$0x17] =	wrdreg s14  }
0x13: {  	s31 =	simm.s32 $0x4;
	s5 =	sor.u32 s4, s5;
	[dreg:$0x18] =	wrdreg s15  }
0x14: {  	s4 =	ssub.s32 $0x2, s4;
	s7 =	smul.u32 $0x18000, s5;
	[dreg:$0x19] =	wrdreg s16  }
0x15: {  	s6 =	sshll.u32 s5, $0x5;
	s5 =	smul.u32 $0x3000, s5;
	[dreg:$0x1a] =	wrdreg s17  }
0x16: {  	s18 =	sshrl.u32 s4, $0x1;
	[dreg:$0x1b] =	wrdreg s19;
	s21 =	simm.s32 $0xB900  }
0x17: {  	s22 =	simm.s32 $0xC900;
	s23 =	simm.s32 $0xD100;
	s24 =	simm.s32 $0xD900  }
0x18: {  	s25 =	simm.s32 $0xE100;
	s8 =	simm.s32 $0x100;
	s26 =	simm.s32 $0xE900  }
0x19: {  	s9 =	simm.s32 $0xC100;
	s11 =	simm.s32 $0xF900;
	s12 =	simm.s32 $0x10100  }
0x1a: {  	s13 =	simm.s32 $0x10900;
	s14 =	simm.s32 $0x11100;
	[dreg:$0x1c] =	wrdreg s21  }
0x1b: {  	s15 =	simm.s32 $0x11900;
	s16 =	simm.s32 $0x12100;
	[dreg:$0x1d] =	wrdreg s22  }
0x1c: {  	s17 =	simm.s32 $0x12900;
	s19 =	simm.s32 $0x13900;
	[dreg:$0x1e] =	wrdreg s23  }
0x1d: {  	s6 =	sadd.s32 s6, s1;
	s1 =	sadd.s32 $0x2600, s1;
	[dreg:$0x1f] =	wrdreg s24  }
0x1e: {  	s20 =	ssub.s32 s4, s18;
	s4 =	sadd.s32 $0x100, s2;
	[smem:$0x7FC] =	sst s25  }
0x1f: {  	[smem:$0x7FD] =	sst s26;
	s18 =	simm.s32 $0x13100;
	s21 =	simm.s32 $0x14900  }
0x20: {  	s22 =	simm.s32 $0x15100;
	s23 =	simm.s32 $0x15900;
	s6 =	sadd.s32 $0x2200, s6  }
0x21: {  	s24 =	simm.s32 $0x16100;
	s5 =	sadd.s32 s1, s5;
	[dreg:$0x3] =	wrdreg s6  }
0x22: {  	s25 =	simm.s32 $0x16900;
	[dreg:$0x4] =	wrdreg s5;
	s5 =	simm.s32 $0x4900  }
0x23: {  	s7 =	sshrl.u32 s7, $0x3;
	s6 =	simm.s32 $0x5100;
	[dreg:$0xe] =	wrdreg s5  }
0x24: {  	s1 =	sadd.s32 s1, s7;
	s7 =	simm.s32 $0x5900;
	[dreg:$0xf] =	wrdreg s6  }
0x25: {  	v2 =	vlaneseq.u32;
	s26 =	simm.s32 $0x17100;
	s1 =	sadd.s32 $0x1800, s1;
	[dreg:$0x10] =	wrdreg s7  }
0x26: {  	vm0 =	vmmov $0xffff;
	v1 =	vshrl.u32 v2, $0x3;
	s5 =	sadd.s32 $0x200, s2;
	s6 =	smax.u32 s20, $0x1;
	s7 =	simm.s32 $0x5  }
0x27: {  	v0 =	vand.u32 $0x7, v2;
	v2 =	vor.u32 $0x8, v2;
	v1 =	vmul.u32 $0x8, v1;
	s20 =	simm.s32 $0x14100;
	[dreg:$0x5] =	wrdreg s1;
	s1 =	simm.s32 $0x3  }
.LBB2_1:
0x28: {  	s0 =	rddreg [dreg:$0x3]  }
0x29: {  	[tilespmem:s3], [sflag:$0x5] =	stream.linear.gather [hbm4b:s0+s3], $0x100, $0x38;
	[tilespmem:$0x18100] =	vst v63  }
0x2a: {  	_ =	swait.ge [sflag:s7], $0x100  }
0x2b: {  	[sflag:s7] =	ssyncset.done $0x0  }
0x2c: {  	[sflag:s7] =	ssyncadd.s32 $0xFFFFFF00  }
0x2d: {  	v3 =	vld [tilespmem:$0x0];
	_ =	sdelay $0x4  }
0x2e: {  	v4 =	vshrl.u32 v3, $0x3  }
0x2f: {  	v4 =	vmul.u32 $0x30, v4  }
0x30: {  	v3 =	vand.u32 $0x7, v3  }
0x31: {  	v3 =	vor.u32 v3, v4  }
0x32: {  	v4 =	vperm.xlane v3, v0;
	_ =	sdelay $0x1  }
0x33: {  	v4 =	vadd.s32 v1, v4;
	_ =	sdelay $0x3  }
0x34: {  	v3 =	vperm.xlane v3, v2  }
0x35: {  	[tilespmem:s8], [sflag:$0x1] =	stream.indirect_vreg.gather [hbm4b:s2+s3], $0x80, v4, vm0, $0xb8;
	[tilespmem:$0x18100] =	vst v63  }
0x36: {  	s0 =	rddreg [dreg:$0x6];
	v3 =	vadd.s32 v1, v3  }
0x37: {  	[tilespmem:s0], [sflag:$0x1] =	stream.indirect_vreg.gather [hbm4b:s4+s3], $0x80, v4, vm0, $0xb8;
	[tilespmem:$0x18100] =	vst v63  }
0x38: {  	s10 =	rddreg [dreg:$0x7]  }
0x39: {  	[tilespmem:s10], [sflag:$0x1] =	stream.indirect_vreg.gather [hbm4b:s5+s3], $0x80, v4, vm0, $0xb8;
	[tilespmem:$0x18100] =	vst v63  }
0x3a: {  	s0 =	rddreg [dreg:$0x8]  }
0x3b: {  	[tilespmem:s0], [sflag:$0x1] =	stream.indirect_vreg.gather [hbm4b:s2+s3], $0x80, v3, vm0, $0xb8;
	[tilespmem:$0x18100] =	vst v63  }
0x3c: {  	s10 =	rddreg [dreg:$0x9]  }
0x3d: {  	[tilespmem:s10], [sflag:$0x1] =	stream.indirect_vreg.gather [hbm4b:s4+s3], $0x80, v3, vm0, $0xb8;
	[tilespmem:$0x18100] =	vst v63  }
0x3e: {  	s0 =	rddreg [dreg:$0xa]  }
0x3f: {  	[tilespmem:s0], [sflag:$0x1] =	stream.indirect_vreg.gather [hbm4b:s5+s3], $0x80, v3, vm0, $0xb8;
	[tilespmem:$0x18100] =	vst v63  }
0x40: {  	v3 =	vld [tilespmem:$0x10];
	_ =	sdelay $0x4  }
0x41: {  	v57 =	vshrl.u32 v3, $0x3  }
0x42: {  	v4 =	vmul.u32 $0x30, v57  }
0x43: {  	v3 =	vand.u32 $0x7, v3  }
0x44: {  	v3 =	vor.u32 v3, v4  }
0x45: {  	v4 =	vperm.xlane v3, v0;
	_ =	sdelay $0x1  }
0x46: {  	v4 =	vadd.s32 v1, v4;
	_ =	sdelay $0x3  }
0x47: {  	s0 =	rddreg [dreg:$0xb];
	v3 =	vperm.xlane v3, v2  }
0x48: {  	[tilespmem:s0], [sflag:$0x1] =	stream.indirect_vreg.gather [hbm4b:s2+s3], $0x80, v4, vm0, $0xb8;
	[tilespmem:$0x18100] =	vst v63  }
0x49: {  	s10 =	rddreg [dreg:$0xc];
	v3 =	vadd.s32 v1, v3  }
0x4a: {  	[tilespmem:s10], [sflag:$0x1] =	stream.indirect_vreg.gather [hbm4b:s4+s3], $0x80, v4, vm0, $0xb8;
	[tilespmem:$0x18100] =	vst v63  }
0x4b: {  	s0 =	rddreg [dreg:$0xd]  }
0x4c: {  	[tilespmem:s0], [sflag:$0x1] =	stream.indirect_vreg.gather [hbm4b:s5+s3], $0x80, v4, vm0, $0xb8;
	[tilespmem:$0x18100] =	vst v63  }
0x4d: {  	s10 =	rddreg [dreg:$0xe]  }
0x4e: {  	[tilespmem:s10], [sflag:$0x1] =	stream.indirect_vreg.gather [hbm4b:s2+s3], $0x80, v3, vm0, $0xb8;
	[tilespmem:$0x18100] =	vst v63  }
0x4f: {  	s0 =	rddreg [dreg:$0xf]  }
0x50: {  	[tilespmem:s0], [sflag:$0x1] =	stream.indirect_vreg.gather [hbm4b:s4+s3], $0x80, v3, vm0, $0xb8;
	[tilespmem:$0x18100] =	vst v63  }
0x51: {  	s10 =	rddreg [dreg:$0x10]  }
0x52: {  	[tilespmem:s10], [sflag:$0x1] =	stream.indirect_vreg.gather [hbm4b:s5+s3], $0x80, v3, vm0, $0xb8;
	[tilespmem:$0x18100] =	vst v63  }
0x53: {  	v3 =	vld [tilespmem:$0x20];
	_ =	sdelay $0x4  }
0x54: {  	v58 =	vshrl.u32 v3, $0x3  }
0x55: {  	v4 =	vmul.u32 $0x30, v58  }
0x56: {  	v3 =	vand.u32 $0x7, v3  }
0x57: {  	v3 =	vor.u32 v3, v4  }
0x58: {  	v4 =	vperm.xlane v3, v0;
	_ =	sdelay $0x1  }
0x59: {  	v4 =	vadd.s32 v1, v4;
	_ =	sdelay $0x3  }
0x5a: {  	s0 =	rddreg [dreg:$0x11];
	v3 =	vperm.xlane v3, v2  }
0x5b: {  	[tilespmem:s0], [sflag:$0x1] =	stream.indirect_vreg.gather [hbm4b:s2+s3], $0x80, v4, vm0, $0xb8;
	[tilespmem:$0x18100] =	vst v63  }
0x5c: {  	s10 =	rddreg [dreg:$0x12];
	v3 =	vadd.s32 v1, v3  }
0x5d: {  	[tilespmem:s10], [sflag:$0x1] =	stream.indirect_vreg.gather [hbm4b:s4+s3], $0x80, v4, vm0, $0xb8;
	[tilespmem:$0x18100] =	vst v63  }
0x5e: {  	s0 =	rddreg [dreg:$0x13]  }
0x5f: {  	[tilespmem:s0], [sflag:$0x1] =	stream.indirect_vreg.gather [hbm4b:s5+s3], $0x80, v4, vm0, $0xb8;
	[tilespmem:$0x18100] =	vst v63  }
0x60: {  	s10 =	rddreg [dreg:$0x14]  }
0x61: {  	[tilespmem:s10], [sflag:$0x1] =	stream.indirect_vreg.gather [hbm4b:s2+s3], $0x80, v3, vm0, $0xb8;
	[tilespmem:$0x18100] =	vst v63  }
0x62: {  	s0 =	rddreg [dreg:$0x15]  }
0x63: {  	[tilespmem:s0], [sflag:$0x1] =	stream.indirect_vreg.gather [hbm4b:s4+s3], $0x80, v3, vm0, $0xb8;
	[tilespmem:$0x18100] =	vst v63  }
0x64: {  	s10 =	rddreg [dreg:$0x16]  }
0x65: {  	[tilespmem:s10], [sflag:$0x1] =	stream.indirect_vreg.gather [hbm4b:s5+s3], $0x80, v3, vm0, $0xb8;
	[tilespmem:$0x18100] =	vst v63  }
0x66: {  	v3 =	vld [tilespmem:$0x30];
	_ =	sdelay $0x4  }
0x67: {  	v59 =	vshrl.u32 v3, $0x3  }
0x68: {  	v4 =	vmul.u32 $0x30, v59  }
0x69: {  	v3 =	vand.u32 $0x7, v3  }
0x6a: {  	v3 =	vor.u32 v3, v4  }
0x6b: {  	v4 =	vperm.xlane v3, v0;
	_ =	sdelay $0x1  }
0x6c: {  	v4 =	vadd.s32 v1, v4;
	_ =	sdelay $0x3  }
0x6d: {  	s0 =	rddreg [dreg:$0x17];
	v3 =	vperm.xlane v3, v2  }
0x6e: {  	[tilespmem:s0], [sflag:$0x1] =	stream.indirect_vreg.gather [hbm4b:s2+s3], $0x80, v4, vm0, $0xb8;
	[tilespmem:$0x18100] =	vst v63  }
0x6f: {  	s10 =	rddreg [dreg:$0x18];
	v3 =	vadd.s32 v1, v3  }
0x70: {  	[tilespmem:s10], [sflag:$0x1] =	stream.indirect_vreg.gather [hbm4b:s4+s3], $0x80, v4, vm0, $0xb8;
	[tilespmem:$0x18100] =	vst v63  }
0x71: {  	s0 =	rddreg [dreg:$0x19]  }
0x72: {  	[tilespmem:s0], [sflag:$0x1] =	stream.indirect_vreg.gather [hbm4b:s5+s3], $0x80, v4, vm0, $0xb8;
	[tilespmem:$0x18100] =	vst v63  }
0x73: {  	s10 =	rddreg [dreg:$0x1a]  }
0x74: {  	[tilespmem:s10], [sflag:$0x1] =	stream.indirect_vreg.gather [hbm4b:s2+s3], $0x80, v3, vm0, $0xb8;
	[tilespmem:$0x18100] =	vst v63  }
0x75: {  	s0 =	rddreg [dreg:$0x1b]  }
0x76: {  	[tilespmem:s0], [sflag:$0x1] =	stream.indirect_vreg.gather [hbm4b:s4+s3], $0x80, v3, vm0, $0xb8;
	[tilespmem:$0x18100] =	vst v63  }
0x77: {  	s10 =	rddreg [dreg:$0x1c]  }
0x78: {  	[tilespmem:s10], [sflag:$0x1] =	stream.indirect_vreg.gather [hbm4b:s5+s3], $0x80, v3, vm0, $0xb8;
	[tilespmem:$0x18100] =	vst v63  }
0x79: {  	v3 =	vld [tilespmem:$0x80];
	_ =	sdelay $0x4  }
0x7a: {  	v60 =	vshrl.u32 v3, $0x3  }
0x7b: {  	v4 =	vmul.u32 $0x30, v60  }
0x7c: {  	v3 =	vand.u32 $0x7, v3  }
0x7d: {  	v3 =	vor.u32 v3, v4  }
0x7e: {  	v4 =	vperm.xlane v3, v0;
	_ =	sdelay $0x1  }
0x7f: {  	v4 =	vadd.s32 v1, v4;
	_ =	sdelay $0x3  }
0x80: {  	s0 =	rddreg [dreg:$0x1d];
	v3 =	vperm.xlane v3, v2  }
0x81: {  	[tilespmem:s9], [sflag:$0x2] =	stream.indirect_vreg.gather [hbm4b:s2+s3], $0x80, v4, vm0, $0xb8;
	[tilespmem:$0x18100] =	vst v63  }
0x82: {  	s10 =	rddreg [dreg:$0x1e];
	v3 =	vadd.s32 v1, v3  }
0x83: {  	[tilespmem:s0], [sflag:$0x2] =	stream.indirect_vreg.gather [hbm4b:s4+s3], $0x80, v4, vm0, $0xb8;
	[tilespmem:$0x18100] =	vst v63  }
0x84: {  	s0 =	rddreg [dreg:$0x1f]  }
0x85: {  	[tilespmem:s10], [sflag:$0x2] =	stream.indirect_vreg.gather [hbm4b:s5+s3], $0x80, v4, vm0, $0xb8;
	[tilespmem:$0x18100] =	vst v63  }
0x86: {  	s10 =	sld [smem:$0x7FC]  }
0x87: {  	[tilespmem:s0], [sflag:$0x2] =	stream.indirect_vreg.gather [hbm4b:s2+s3], $0x80, v3, vm0, $0xb8;
	[tilespmem:$0x18100] =	vst v63  }
0x88: {  	s0 =	sld [smem:$0x7FD]  }
0x89: {  	[tilespmem:s10], [sflag:$0x2] =	stream.indirect_vreg.gather [hbm4b:s4+s3], $0x80, v3, vm0, $0xb8;
	[tilespmem:$0x18100] =	vst v63  }
0x8a: {  	_ = 	snop  }
0x8b: {  	[tilespmem:s0], [sflag:$0x2] =	stream.indirect_vreg.gather [hbm4b:s5+s3], $0x80, v3, vm0, $0xb8;
	[tilespmem:$0x18100] =	vst v63  }
0x8c: {  	v3 =	vld [tilespmem:$0x90];
	_ =	sdelay $0x4  }
0x8d: {  	v61 =	vshrl.u32 v3, $0x3  }
0x8e: {  	v4 =	vmul.u32 $0x30, v61  }
0x8f: {  	v3 =	vand.u32 $0x7, v3  }
0x90: {  	v3 =	vor.u32 v3, v4  }
0x91: {  	v4 =	vperm.xlane v3, v0;
	_ =	sdelay $0x1  }
0x92: {  	v4 =	vadd.s32 v1, v4;
	_ =	sdelay $0x3  }
0x93: {  	s10 =	simm.s32 $0xF100;
	v3 =	vperm.xlane v3, v2  }
0x94: {  	[tilespmem:s10], [sflag:$0x2] =	stream.indirect_vreg.gather [hbm4b:s2+s3], $0x80, v4, vm0, $0xb8;
	[tilespmem:$0x18100] =	vst v63  }
0x95: {  	v3 =	vadd.s32 v1, v3  }
0x96: {  	[tilespmem:s11], [sflag:$0x2] =	stream.indirect_vreg.gather [hbm4b:s4+s3], $0x80, v4, vm0, $0xb8;
	[tilespmem:$0x18100] =	vst v63  }
0x97: {  	_ = 	snop  }
0x98: {  	[tilespmem:s12], [sflag:$0x2] =	stream.indirect_vreg.gather [hbm4b:s5+s3], $0x80, v4, vm0, $0xb8;
	[tilespmem:$0x18100] =	vst v63  }
0x99: {  	_ = 	snop  }
0x9a: {  	[tilespmem:s13], [sflag:$0x2] =	stream.indirect_vreg.gather [hbm4b:s2+s3], $0x80, v3, vm0, $0xb8;
	[tilespmem:$0x18100] =	vst v63  }
0x9b: {  	_ = 	snop  }
0x9c: {  	[tilespmem:s14], [sflag:$0x2] =	stream.indirect_vreg.gather [hbm4b:s4+s3], $0x80, v3, vm0, $0xb8;
	[tilespmem:$0x18100] =	vst v63  }
0x9d: {  	_ = 	snop  }
0x9e: {  	[tilespmem:s15], [sflag:$0x2] =	stream.indirect_vreg.gather [hbm4b:s5+s3], $0x80, v3, vm0, $0xb8;
	[tilespmem:$0x18100] =	vst v63  }
0x9f: {  	v3 =	vld [tilespmem:$0xA0];
	_ =	sdelay $0x4  }
0xa0: {  	v62 =	vshrl.u32 v3, $0x3  }
0xa1: {  	v4 =	vmul.u32 $0x30, v62  }
0xa2: {  	v3 =	vand.u32 $0x7, v3  }
0xa3: {  	v3 =	vor.u32 v3, v4  }
0xa4: {  	v4 =	vperm.xlane v3, v0;
	_ =	sdelay $0x1  }
0xa5: {  	v4 =	vadd.s32 v1, v4;
	_ =	sdelay $0x3  }
0xa6: {  	v3 =	vperm.xlane v3, v2  }
0xa7: {  	[tilespmem:s16], [sflag:$0x2] =	stream.indirect_vreg.gather [hbm4b:s2+s3], $0x80, v4, vm0, $0xb8;
	[tilespmem:$0x18100] =	vst v63  }
0xa8: {  	v3 =	vadd.s32 v1, v3  }
0xa9: {  	[tilespmem:s17], [sflag:$0x2] =	stream.indirect_vreg.gather [hbm4b:s4+s3], $0x80, v4, vm0, $0xb8;
	[tilespmem:$0x18100] =	vst v63  }
0xaa: {  	_ = 	snop  }
0xab: {  	[tilespmem:s18], [sflag:$0x2] =	stream.indirect_vreg.gather [hbm4b:s5+s3], $0x80, v4, vm0, $0xb8;
	[tilespmem:$0x18100] =	vst v63  }
0xac: {  	_ = 	snop  }
0xad: {  	[tilespmem:s19], [sflag:$0x2] =	stream.indirect_vreg.gather [hbm4b:s2+s3], $0x80, v3, vm0, $0xb8;
	[tilespmem:$0x18100] =	vst v63  }
0xae: {  	_ = 	snop  }
0xaf: {  	[tilespmem:s20], [sflag:$0x2] =	stream.indirect_vreg.gather [hbm4b:s4+s3], $0x80, v3, vm0, $0xb8;
	[tilespmem:$0x18100] =	vst v63  }
0xb0: {  	_ = 	snop  }
0xb1: {  	[tilespmem:s21], [sflag:$0x2] =	stream.indirect_vreg.gather [hbm4b:s5+s3], $0x80, v3, vm0, $0xb8;
	[tilespmem:$0x18100] =	vst v63  }
0xb2: {  	v3 =	vld [tilespmem:$0xB0];
	_ =	sdelay $0x4  }
0xb3: {  	v63 =	vshrl.u32 v3, $0x3  }
0xb4: {  	v4 =	vmul.u32 $0x30, v63  }
0xb5: {  	v3 =	vand.u32 $0x7, v3  }
0xb6: {  	v3 =	vor.u32 v3, v4  }
0xb7: {  	v4 =	vperm.xlane v3, v0;
	_ =	sdelay $0x1  }
0xb8: {  	v4 =	vadd.s32 v1, v4;
	_ =	sdelay $0x3  }
0xb9: {  	v3 =	vperm.xlane v3, v2  }
0xba: {  	[tilespmem:s22], [sflag:$0x2] =	stream.indirect_vreg.gather [hbm4b:s2+s3], $0x80, v4, vm0, $0xb8;
	[tilespmem:$0x18100] =	vst v63  }
0xbb: {  	v3 =	vadd.s32 v1, v3  }
0xbc: {  	[tilespmem:s23], [sflag:$0x2] =	stream.indirect_vreg.gather [hbm4b:s4+s3], $0x80, v4, vm0, $0xb8;
	[tilespmem:$0x18100] =	vst v63  }
0xbd: {  	_ = 	snop  }
0xbe: {  	[tilespmem:s24], [sflag:$0x2] =	stream.indirect_vreg.gather [hbm4b:s5+s3], $0x80, v4, vm0, $0xb8;
	[tilespmem:$0x18100] =	vst v63  }
0xbf: {  	_ = 	snop  }
0xc0: {  	[tilespmem:s25], [sflag:$0x2] =	stream.indirect_vreg.gather [hbm4b:s2+s3], $0x80, v3, vm0, $0xb8;
	[tilespmem:$0x18100] =	vst v63  }
0xc1: {  	_ = 	snop  }
0xc2: {  	[tilespmem:s26], [sflag:$0x2] =	stream.indirect_vreg.gather [hbm4b:s4+s3], $0x80, v3, vm0, $0xb8;
	[tilespmem:$0x18100] =	vst v63  }
0xc3: {  	_ = 	snop  }
0xc4: {  	[tilespmem:s28], [sflag:$0x2] =	stream.indirect_vreg.gather [hbm4b:s5+s3], $0x80, v3, vm0, $0xb8;
	[tilespmem:$0x18100] =	vst v63  }
0xc5: {  	_ =	swait.ge [sflag:s29], $0xC000  }
0xc6: {  	[sflag:s29] =	ssyncset.done $0x0  }
0xc7: {  	s10 =	rddreg [dreg:$0x4];
	[sflag:s29] =	ssyncadd.s32 $0xFFFF4000  }
0xc8: {  	[hbm4b:s10+s3] =	stream.linear.scatter [tilespmem:s8], [sflag:$0x3], $0xC000, $0x38;
	[tilespmem:$0x18100] =	vst v63  }
0xc9: {  	_ =	swait.ge [sflag:s30], $0xC000  }
0xca: {  	[sflag:s30] =	ssyncset.done $0x0  }
0xcb: {  	s10 =	rddreg [dreg:$0x5];
	[sflag:s30] =	ssyncadd.s32 $0xFFFF4000  }
0xcc: {  	[hbm4b:s10+s3] =	stream.linear.scatter [tilespmem:s9], [sflag:$0x4], $0xC000, $0x38;
	[tilespmem:$0x18100] =	vst v63  }
0xcd: {  	p0 =	sne.s32 s6, $0x1;
	_ =	swait.ge [sflag:s31], $0xC000  }
.Ltmp0:
0xce: {  	[sflag:s31] =	ssyncset.done $0x0;
	(pc) =	sbr.rel @p0 .LBB2_1-.Ltmp0, $4  }
0xcf: {  	[sflag:s31] =	ssyncadd.s32 $0xFFFF4000  }
0xd0: {  	_ =	swait.ge [sflag:s1], $0xC000  }
0xd1: {  	[sflag:s1] =	ssyncset.done $0x0  }
0xd2: {  	s6 =	sadd.s32 $0xFFFFFFFF, s6;
	[sflag:s1] =	ssyncadd.s32 $0xFFFF4000  }
0xd3: {  	_ =	sfence.sel $0x180000  }
0xd4: {  	[bflag:$0x0] =	sbarrier.arrive $0xFFFF  }
0xd5: {  	_ =	strace $0x9000004A  }
0xd6: {  	s0 =	stileid.u32;
	[bflag:$0x2] =	sbarrier.arrive $0xFFFF  }
0xd7: {  	p0 =	sne.s32 s0, $0x0;
	s0 =	rddreg [dreg:$0x2]  }
0xd8: {  	s0 =	sadd.s32 @!p0 $0x100000, s0  }
0xd9: {  	[sflag:s0] =	ssyncadd.tile.s32 @!p0 $0x1;
	_ =	shalt  }
.Lfunc_end2:
_tile_overlayer_lowered:
.L_overlay_start_2:
0xda: {  	(tag) =	ssettag $0x2  }
0xdb: {  	s0 =	rddreg [dreg:$0x0];
	s2 =	stileid.u32  }
0xdc: {  	s1 =	rddreg [dreg:$0x1];
	p0 =	sne.s32 s2, $0x0  }
0xdd: {  	s3 =	rddreg [dreg:$0x2];
	[bflag:$0x3] =	sbarrier.arrive $0xFFFF;
	s2 =	simm.s32 @!p0 $0x1C05  }
0xde: {  	[timem:s3], [sflag:s2] =	dma.local @!p0 [hbm:s0], s1  }
0xdf: {  	s0 =	simm.s32 @!p0 $0x5  }
0xe0: {  	_ =	swait.ge @!p0 [sflag:s0], s1  }
0xe1: {  	s1 =	ssub.s32 @!p0 $0x0, s1;
	[sflag:s0] =	ssyncset.done @!p0 $0x0  }
0xe2: {  	[sflag:s0] =	ssyncadd.s32 @!p0 s1  }
0xe3: {  	[bflag:$0x3] =	sbarrier.arrive $0xFFFF  }
0xe4: {  	_ =	shalt  }

</sc_bundles>
